<compile_context>
chip_gen: v7x
topology: tpu7x:2x2x1
jax: 0.10.2.dev20260603
libtpu: 0.0.44.dev20260713+nightly
codegen_flags: <defaults>
</compile_context>

<pallas_src>
import jax
import jax.numpy as jnp
from jax import lax
from jax.experimental import pallas as pl
from jax.experimental.pallas import tpu as pltpu, tpu_sc as plsc

N_NODES = 50000
N_EDGES = 1600000
NUM_CORES = 2
NUM_SUBCORES = 16
NW = NUM_CORES * NUM_SUBCORES
EDGES_PER_WORKER = N_EDGES // NW
CHUNK = 2000
NCHUNKS = EDGES_PER_WORKER // CHUNK
VECS = CHUNK // 16
CUT = 5.0
INV_CUT = 1.0 / CUT


def _rsqrt16(a):
    bi = plsc.bitcast(a, jnp.int32)
    yi = jnp.int32(0x5F3759DF) - (bi >> 1)
    y = plsc.bitcast(yi, jnp.float32)
    y = y * (1.5 - 0.5 * a * y * y)
    return y * (1.5 - 0.5 * a * y * y)


def _sc_body(dij_hbm, qa_hbm, idxi_hbm, idxj_hbm, out_hbm,
             qa_v, acc_v, dij0, dij1, idxi0, idxi1, idxj0, idxj1,
             sem0, sem1, qsem):
    wid = lax.axis_index("c") * NUM_SUBCORES + lax.axis_index("s")
    base0 = wid * EDGES_PER_WORKER
    bufs = ((dij0, idxi0, idxj0, sem0), (dij1, idxi1, idxj1, sem1))

    def fire(k, slot):
        off = base0 + k * CHUNK
        d_v, i_v, j_v, s = bufs[slot]
        pltpu.async_copy(dij_hbm.at[pl.ds(off, CHUNK)], d_v, s)
        pltpu.async_copy(idxi_hbm.at[pl.ds(off, CHUNK)], i_v, s)
        pltpu.async_copy(idxj_hbm.at[pl.ds(off, CHUNK)], j_v, s)

    def drain(slot):
        d_v, i_v, j_v, s = bufs[slot]
        pltpu.make_async_copy(dij_hbm.at[pl.ds(0, CHUNK)], d_v, s).wait()
        pltpu.make_async_copy(idxi_hbm.at[pl.ds(0, CHUNK)], i_v, s).wait()
        pltpu.make_async_copy(idxj_hbm.at[pl.ds(0, CHUNK)], j_v, s).wait()

    stripe = lax.iota(jnp.int32, 16) * VECS

    def compute(slot):
        d_v, i_v, j_v, _ = bufs[slot]

        @plsc.parallel_loop(0, VECS, unroll=4)
        def _vec(j):
            vidx = stripe + j
            d = plsc.load_gather(d_v, [vidx])
            ii = plsc.load_gather(i_v, [vidx])
            jj = plsc.load_gather(j_v, [vidx])
            qi = plsc.load_gather(qa_v, [ii])
            qj = plsc.load_gather(qa_v, [jj])
            x = jnp.minimum(d * INV_CUT, 1.0)
            x3 = x * x * x
            sw = x3 * ((6.0 * x - 15.0) * x + 10.0)
            e_ord = 1.0 / d
            e_shield = _rsqrt16(d * d + 1.0)
            e = (0.5 * qi * qj) * (e_shield + sw * (e_ord - e_shield))
            plsc.addupdate_scatter(acc_v, [ii], e)

    pltpu.async_copy(qa_hbm, qa_v, qsem)
    fire(0, 0)
    zeros16 = jnp.zeros((16,), jnp.float32)

    @pl.loop(0, N_NODES // 16)
    def _zero(i):
        acc_v[pl.ds(i * 16, 16)] = zeros16

    pltpu.make_async_copy(qa_hbm, qa_v, qsem).wait()

    @pl.loop(0, (NCHUNKS - 1) // 2)
    def _pair(t):
        k = t * 2
        drain(0)
        fire(k + 1, 1)
        compute(0)
        drain(1)
        fire(k + 2, 0)
        compute(1)

    drain(0)
    compute(0)

    pltpu.sync_copy(acc_v, out_hbm.at[wid])


_sc_coulomb = pl.kernel(
    _sc_body,
    out_type=jax.ShapeDtypeStruct((NW, N_NODES), jnp.float32),
    mesh=plsc.VectorSubcoreMesh(
        core_axis_name="c", subcore_axis_name="s",
        num_cores=NUM_CORES, num_subcores=NUM_SUBCORES),
    scratch_types=[
        pltpu.VMEM((N_NODES,), jnp.float32),
        pltpu.VMEM((N_NODES,), jnp.float32),
        pltpu.VMEM((CHUNK,), jnp.float32),
        pltpu.VMEM((CHUNK,), jnp.float32),
        pltpu.VMEM((CHUNK,), jnp.int32),
        pltpu.VMEM((CHUNK,), jnp.int32),
        pltpu.VMEM((CHUNK,), jnp.int32),
        pltpu.VMEM((CHUNK,), jnp.int32),
        pltpu.SemaphoreType.DMA,
        pltpu.SemaphoreType.DMA,
        pltpu.SemaphoreType.DMA,
    ],
    compiler_params=pltpu.CompilerParams(needs_layout_passes=False),
)


def _merge_body(x_ref, o_ref):
    o_ref[...] = jnp.sum(x_ref[...], axis=0)


_merge = pl.pallas_call(
    _merge_body,
    out_shape=jax.ShapeDtypeStruct((N_NODES,), jnp.float32),
)


@jax.jit
def kernel(Z, Dij, Qa, idx_i, idx_j):
    partials = _sc_coulomb(Dij, Qa, idx_i, idx_j)
    eele = _merge(partials)
    return (eele, Qa)

# --- scband reference (transcript-rebuilt; emitter-appended) ---
"""Pipeline reference for scband-coulomb-3573412790702 (READ-ONLY COPY).

The authoritative reference and input builder live on the scoring server;
editing this copy changes nothing except your own understanding.
"""

import jax, jax.numpy as jnp
import numpy as np

N_NODES = 50000
N_EDGES = 1600000
SR_CUT = 10.0


def setup_inputs(seed: int = 0) -> dict:
    key = jax.random.key(seed)
    k1, k2, k3, k4, k5 = jax.random.split(key, 5)
    Z = jax.random.randint(k1, (N_NODES,), 1, 100, dtype=jnp.int32)
    # distances: strictly positive, spanning both the switched (< sr_cut/2) and plain regions
    Dij = jax.random.uniform(k2, (N_EDGES,), minval=0.2, maxval=15.0, dtype=jnp.float32)
    Qa = jax.random.normal(k3, (N_EDGES // N_EDGES * N_NODES,), dtype=jnp.float32) * 0.1
    # tf.math.segment_sum requires sorted segment ids -> sorted idx_i
    idx_i = jnp.sort(jax.random.randint(k4, (N_EDGES,), 0, N_NODES, dtype=jnp.int32))
    idx_j = jax.random.randint(k5, (N_EDGES,), 0, N_NODES, dtype=jnp.int32)
    return {"Z": Z, "Dij": Dij, "Qa": Qa, "idx_i": idx_i, "idx_j": idx_j}


def _switch(Dij):
    cut = SR_CUT / 2.0
    x = Dij / cut
    x3 = x * x * x
    x4 = x3 * x
    x5 = x4 * x
    return jnp.where(Dij < cut, 6 * x5 - 15 * x4 + 10 * x3, jnp.ones_like(Dij))


def reference(Z, Dij, Qa, idx_i, idx_j):
    # use_scaled_charges=False, lr_cut=None branch of Coulomb.energy_per_atom
    Qi = jnp.take(Qa, idx_i, axis=0)
    Qj = jnp.take(Qa, idx_j, axis=0)
    DijS = jnp.sqrt(Dij * Dij + 1.0)
    switch = _switch(Dij)
    cswitch = 1.0 - switch
    Eele_ordinary = 1.0 / Dij
    Eele_shielded = 1.0 / DijS
    Eele = 0.5 * Qi * Qj * (cswitch * Eele_shielded + switch * Eele_ordinary)
    Eele = jax.ops.segment_sum(Eele, idx_i, num_segments=N_NODES)
    return (Eele, Qa)

if __name__ == "__main__":
    import jax
    _d = setup_inputs()
    print(jax.jit(kernel)(*tuple(_d.values())))

</pallas_src>

<mosaic_0001>
#map = affine_map<(d0, d1) -> (0)>
#map1 = affine_map<(d0, d1) -> (0, 0)>
module attributes {stable_mosaic.version = 14 : i64} {
  func.func @_sc_body(%arg0: i32, %arg1: i32, %arg2: memref<1600000xf32, #tpu.memory_space<hbm>>, %arg3: memref<50000xf32, #tpu.memory_space<hbm>>, %arg4: memref<1600000xi32, #tpu.memory_space<hbm>>, %arg5: memref<1600000xi32, #tpu.memory_space<hbm>>, %arg6: memref<32x50000xf32, #tpu.memory_space<hbm>>, %arg7: memref<50000xf32, #tpu.memory_space<vmem>>, %arg8: memref<50000xf32, #tpu.memory_space<vmem>>, %arg9: memref<2000xf32, #tpu.memory_space<vmem>>, %arg10: memref<2000xf32, #tpu.memory_space<vmem>>, %arg11: memref<2000xi32, #tpu.memory_space<vmem>>, %arg12: memref<2000xi32, #tpu.memory_space<vmem>>, %arg13: memref<2000xi32, #tpu.memory_space<vmem>>, %arg14: memref<2000xi32, #tpu.memory_space<vmem>>, %arg15: memref<!tpu.dma_semaphore, #tpu.memory_space<semaphore_mem>>, %arg16: memref<!tpu.dma_semaphore, #tpu.memory_space<semaphore_mem>>, %arg17: memref<!tpu.dma_semaphore, #tpu.memory_space<semaphore_mem>>) attributes {dimension_semantics = [#tpu.dimension_semantics<core_parallel>, #tpu.dimension_semantics<subcore_parallel>], iteration_bounds = array<i64: 2, 16>, scalar_prefetch = 0 : i64, scratch_operands = 11 : i64, tpu.core_type = #tpu.core_type<sc_vector_subcore>, window_params = [{transform_indices = #map}, {transform_indices = #map}, {transform_indices = #map}, {transform_indices = #map}, {transform_indices = #map1}]} {
    %mul3A = arith.constant 16 : i32
    %mul3A_0 = arith.muli %arg0, %mul3A : i32
    %add3A = arith.addi %mul3A_0, %arg1 : i32
    %mul3A_1 = arith.constant 50000 : i32
    %mul3A_2 = arith.muli %add3A, %mul3A_1 : i32
    %iota3A = tpu.iota {dimensions = array<i32: 0>} : vector<16xi32>
    %mul3A_3 = arith.constant 125 : i32
    %mul3A_4 = vector.broadcast %mul3A_3 : i32 to vector<16xi32>
    %mul3A_5 = arith.muli %iota3A, %mul3A_4 : vector<16xi32>
    tpu.enqueue_dma source(%arg3 : memref<50000xf32, #tpu.memory_space<hbm>>) target(%arg7 : memref<50000xf32, #tpu.memory_space<vmem>>) target_semaphore(%arg17 : memref<!tpu.dma_semaphore, #tpu.memory_space<semaphore_mem>>)
    %add3A_6 = arith.constant 0 : i32
    %add3A_7 = arith.addi %mul3A_2, %add3A_6 : i32
    %dma_start3A = tpu.memref_slice %arg2[%add3A_7] : memref<1600000xf32, #tpu.memory_space<hbm>> -> memref<2000xf32, #tpu.memory_space<hbm>>
    %dma_start3A_8 = tpu.memref_slice %arg2[%add3A_7] : memref<1600000xf32, #tpu.memory_space<hbm>> -> memref<2000xf32, #tpu.memory_space<hbm>>
    tpu.enqueue_dma source(%dma_start3A_8 : memref<2000xf32, #tpu.memory_space<hbm>>) target(%arg9 : memref<2000xf32, #tpu.memory_space<vmem>>) target_semaphore(%arg15 : memref<!tpu.dma_semaphore, #tpu.memory_space<semaphore_mem>>)
    %dma_start3A_9 = tpu.memref_slice %arg4[%add3A_7] : memref<1600000xi32, #tpu.memory_space<hbm>> -> memref<2000xi32, #tpu.memory_space<hbm>>
    %dma_start3A_10 = tpu.memref_slice %arg4[%add3A_7] : memref<1600000xi32, #tpu.memory_space<hbm>> -> memref<2000xi32, #tpu.memory_space<hbm>>
    tpu.enqueue_dma source(%dma_start3A_10 : memref<2000xi32, #tpu.memory_space<hbm>>) target(%arg11 : memref<2000xi32, #tpu.memory_space<vmem>>) target_semaphore(%arg15 : memref<!tpu.dma_semaphore, #tpu.memory_space<semaphore_mem>>)
    %dma_start3A_11 = tpu.memref_slice %arg5[%add3A_7] : memref<1600000xi32, #tpu.memory_space<hbm>> -> memref<2000xi32, #tpu.memory_space<hbm>>
    %dma_start3A_12 = tpu.memref_slice %arg5[%add3A_7] : memref<1600000xi32, #tpu.memory_space<hbm>> -> memref<2000xi32, #tpu.memory_space<hbm>>
    tpu.enqueue_dma source(%dma_start3A_12 : memref<2000xi32, #tpu.memory_space<hbm>>) target(%arg13 : memref<2000xi32, #tpu.memory_space<vmem>>) target_semaphore(%arg15 : memref<!tpu.dma_semaphore, #tpu.memory_space<semaphore_mem>>)
    %broadcast_in_dim3A = arith.constant 0.000000e+00 : f32
    %broadcast_in_dim3A_13 = vector.broadcast %broadcast_in_dim3A : f32 to vector<16xf32>
    %scan3A = arith.constant 0 : i32
    %scan3A_14 = arith.constant 3125 : i32
    %scan3A_15 = arith.addi %scan3A, %scan3A_14 : i32
    %scan3A_16 = arith.constant 1 : i32
    scf.for %scan3A_36 = %scan3A to %scan3A_15 step %scan3A_16  : i32 {
      %mul3A_37 = arith.constant 1 : i32
      %mul3A_38 = arith.muli %scan3A_36, %mul3A_37 : i32
      %add3A_39 = arith.constant 0 : i32
      %add3A_40 = arith.addi %add3A_39, %mul3A_38 : i32
      %mul3A_41 = arith.constant 16 : i32
      %mul3A_42 = arith.muli %add3A_40, %mul3A_41 : i32
      %swap3A = arith.index_cast %mul3A_42 : i32 to index
      %swap3A_43 = tpu.vector_load %arg8[%swap3A] {strides = array<i32>} : memref<50000xf32, #tpu.memory_space<vmem>>, vector<16xf32>,
      tpu.vector_store %arg8[%swap3A], %broadcast_in_dim3A_13 {strides = array<i32>} : memref<50000xf32, #tpu.memory_space<vmem>>, vector<16xf32>,
    }
    %scan3A_17 = arith.constant 3125 : i32
    tpu.wait_dma2 semaphore(%arg17 : memref<!tpu.dma_semaphore, #tpu.memory_space<semaphore_mem>>) src(%arg3 : memref<50000xf32, #tpu.memory_space<hbm>>) dst(%arg7 : memref<50000xf32, #tpu.memory_space<vmem>>)
    %scan3A_18 = arith.constant 0 : i32
    %scan3A_19 = arith.constant 12 : i32
    %scan3A_20 = arith.addi %scan3A_18, %scan3A_19 : i32
    %scan3A_21 = arith.constant 1 : i32
    scf.for %scan3A_36 = %scan3A_18 to %scan3A_20 step %scan3A_21  : i32 {
      %mul3A_37 = arith.constant 1 : i32
      %mul3A_38 = arith.muli %scan3A_36, %mul3A_37 : i32
      %add3A_39 = arith.constant 0 : i32
      %add3A_40 = arith.addi %add3A_39, %mul3A_38 : i32
      %mul3A_41 = arith.constant 2 : i32
      %mul3A_42 = arith.muli %add3A_40, %mul3A_41 : i32
      %dma_wait3A_43 = arith.constant 0 : i32
      %dma_wait3A_44 = tpu.memref_slice %arg2[%dma_wait3A_43] : memref<1600000xf32, #tpu.memory_space<hbm>> -> memref<2000xf32, #tpu.memory_space<hbm>>
      %dma_wait3A_45 = arith.constant 0 : i32
      %dma_wait3A_46 = tpu.memref_slice %arg2[%dma_wait3A_45] : memref<1600000xf32, #tpu.memory_space<hbm>> -> memref<2000xf32, #tpu.memory_space<hbm>>
      tpu.wait_dma2 semaphore(%arg15 : memref<!tpu.dma_semaphore, #tpu.memory_space<semaphore_mem>>) src(%dma_wait3A_46 : memref<2000xf32, #tpu.memory_space<hbm>>) dst(%arg9 : memref<2000xf32, #tpu.memory_space<vmem>>)
      %dma_wait3A_47 = arith.constant 0 : i32
      %dma_wait3A_48 = tpu.memref_slice %arg4[%dma_wait3A_47] : memref<1600000xi32, #tpu.memory_space<hbm>> -> memref<2000xi32, #tpu.memory_space<hbm>>
      %dma_wait3A_49 = arith.constant 0 : i32
      %dma_wait3A_50 = tpu.memref_slice %arg4[%dma_wait3A_49] : memref<1600000xi32, #tpu.memory_space<hbm>> -> memref<2000xi32, #tpu.memory_space<hbm>>
      tpu.wait_dma2 semaphore(%arg15 : memref<!tpu.dma_semaphore, #tpu.memory_space<semaphore_mem>>) src(%dma_wait3A_50 : memref<2000xi32, #tpu.memory_space<hbm>>) dst(%arg11 : memref<2000xi32, #tpu.memory_space<vmem>>)
      %dma_wait3A_51 = arith.constant 0 : i32
      %dma_wait3A_52 = tpu.memref_slice %arg5[%dma_wait3A_51] : memref<1600000xi32, #tpu.memory_space<hbm>> -> memref<2000xi32, #tpu.memory_space<hbm>>
      %dma_wait3A_53 = arith.constant 0 : i32
      %dma_wait3A_54 = tpu.memref_slice %arg5[%dma_wait3A_53] : memref<1600000xi32, #tpu.memory_space<hbm>> -> memref<2000xi32, #tpu.memory_space<hbm>>
      tpu.wait_dma2 semaphore(%arg15 : memref<!tpu.dma_semaphore, #tpu.memory_space<semaphore_mem>>) src(%dma_wait3A_54 : memref<2000xi32, #tpu.memory_space<hbm>>) dst(%arg13 : memref<2000xi32, #tpu.memory_space<vmem>>)
      %add3A_55 = arith.constant 1 : i32
      %add3A_56 = arith.addi %mul3A_42, %add3A_55 : i32
      %mul3A_57 = arith.constant 2000 : i32
      %mul3A_58 = arith.muli %add3A_56, %mul3A_57 : i32
      %add3A_59 = arith.addi %mul3A_2, %mul3A_58 : i32
      %dma_start3A_60 = tpu.memref_slice %arg2[%add3A_59] : memref<1600000xf32, #tpu.memory_space<hbm>> -> memref<2000xf32, #tpu.memory_space<hbm>>
      %dma_start3A_61 = tpu.memref_slice %arg2[%add3A_59] : memref<1600000xf32, #tpu.memory_space<hbm>> -> memref<2000xf32, #tpu.memory_space<hbm>>
      tpu.enqueue_dma source(%dma_start3A_61 : memref<2000xf32, #tpu.memory_space<hbm>>) target(%arg10 : memref<2000xf32, #tpu.memory_space<vmem>>) target_semaphore(%arg16 : memref<!tpu.dma_semaphore, #tpu.memory_space<semaphore_mem>>)
      %dma_start3A_62 = tpu.memref_slice %arg4[%add3A_59] : memref<1600000xi32, #tpu.memory_space<hbm>> -> memref<2000xi32, #tpu.memory_space<hbm>>
      %dma_start3A_63 = tpu.memref_slice %arg4[%add3A_59] : memref<1600000xi32, #tpu.memory_space<hbm>> -> memref<2000xi32, #tpu.memory_space<hbm>>
      tpu.enqueue_dma source(%dma_start3A_63 : memref<2000xi32, #tpu.memory_space<hbm>>) target(%arg12 : memref<2000xi32, #tpu.memory_space<vmem>>) target_semaphore(%arg16 : memref<!tpu.dma_semaphore, #tpu.memory_space<semaphore_mem>>)
      %dma_start3A_64 = tpu.memref_slice %arg5[%add3A_59] : memref<1600000xi32, #tpu.memory_space<hbm>> -> memref<2000xi32, #tpu.memory_space<hbm>>
      %dma_start3A_65 = tpu.memref_slice %arg5[%add3A_59] : memref<1600000xi32, #tpu.memory_space<hbm>> -> memref<2000xi32, #tpu.memory_space<hbm>>
      tpu.enqueue_dma source(%dma_start3A_65 : memref<2000xi32, #tpu.memory_space<hbm>>) target(%arg14 : memref<2000xi32, #tpu.memory_space<vmem>>) target_semaphore(%arg16 : memref<!tpu.dma_semaphore, #tpu.memory_space<semaphore_mem>>)
      %parallel_loop3A_66 = arith.constant 0 : i32
      %parallel_loop3A_67 = arith.constant 125 : i32
      %parallel_loop3A_68 = arith.constant 1 : i32
      scf.for %parallel_loop3A_95 = %parallel_loop3A_66 to %parallel_loop3A_67 step %parallel_loop3A_68  : i32 {
        %parallel_loop3A_96 = vector.broadcast %parallel_loop3A_95 : i32 to vector<16xi32>
        %parallel_loop3A_97 = arith.addi %mul3A_5, %parallel_loop3A_96 : vector<16xi32>
        %parallel_loop3A_98 = tpu.vector_load_idx %arg9[%parallel_loop3A_97] : memref<2000xf32, #tpu.memory_space<vmem>>[vector<16xi32>], vector<16xf32>,
        %parallel_loop3A_99 = tpu.vector_load_idx %arg11[%parallel_loop3A_97] : memref<2000xi32, #tpu.memory_space<vmem>>[vector<16xi32>], vector<16xi32>,
        %parallel_loop3A_100 = tpu.vector_load_idx %arg13[%parallel_loop3A_97] : memref<2000xi32, #tpu.memory_space<vmem>>[vector<16xi32>], vector<16xi32>,
        %parallel_loop3A_101 = tpu.vector_load_idx %arg7[%parallel_loop3A_99] : memref<50000xf32, #tpu.memory_space<vmem>>[vector<16xi32>], vector<16xf32>,
        %parallel_loop3A_102 = tpu.vector_load_idx %arg7[%parallel_loop3A_100] : memref<50000xf32, #tpu.memory_space<vmem>>[vector<16xi32>], vector<16xf32>,
        %parallel_loop3A_103 = arith.constant 2.000000e-01 : f32
        %parallel_loop3A_104 = vector.broadcast %parallel_loop3A_103 : f32 to vector<16xf32>
        %parallel_loop3A_105 = arith.mulf %parallel_loop3A_98, %parallel_loop3A_104 : vector<16xf32>
        %parallel_loop3A_106 = arith.constant 1.000000e+00 : f32
        %parallel_loop3A_107 = vector.broadcast %parallel_loop3A_106 : f32 to vector<16xf32>
        %parallel_loop3A_108 = arith.minimumf %parallel_loop3A_105, %parallel_loop3A_107 : vector<16xf32>
        %parallel_loop3A_109 = arith.mulf %parallel_loop3A_108, %parallel_loop3A_108 : vector<16xf32>
        %parallel_loop3A_110 = arith.mulf %parallel_loop3A_109, %parallel_loop3A_108 : vector<16xf32>
        %parallel_loop3A_111 = arith.constant 6.000000e+00 : f32
        %parallel_loop3A_112 = vector.broadcast %parallel_loop3A_111 : f32 to vector<16xf32>
        %parallel_loop3A_113 = arith.mulf %parallel_loop3A_112, %parallel_loop3A_108 : vector<16xf32>
        %parallel_loop3A_114 = arith.constant 1.500000e+01 : f32
        %parallel_loop3A_115 = vector.broadcast %parallel_loop3A_114 : f32 to vector<16xf32>
        %parallel_loop3A_116 = arith.subf %parallel_loop3A_113, %parallel_loop3A_115 : vector<16xf32>
        %parallel_loop3A_117 = arith.mulf %parallel_loop3A_116, %parallel_loop3A_108 : vector<16xf32>
        %parallel_loop3A_118 = arith.constant 1.000000e+01 : f32
        %parallel_loop3A_119 = vector.broadcast %parallel_loop3A_118 : f32 to vector<16xf32>
        %parallel_loop3A_120 = arith.addf %parallel_loop3A_117, %parallel_loop3A_119 : vector<16xf32>
        %parallel_loop3A_121 = arith.mulf %parallel_loop3A_110, %parallel_loop3A_120 : vector<16xf32>
        %parallel_loop3A_122 = arith.constant 1.000000e+00 : f32
        %parallel_loop3A_123 = vector.broadcast %parallel_loop3A_122 : f32 to vector<16xf32>
        %parallel_loop3A_124 = arith.divf %parallel_loop3A_123, %parallel_loop3A_98 : vector<16xf32>
        %parallel_loop3A_125 = arith.mulf %parallel_loop3A_98, %parallel_loop3A_98 : vector<16xf32>
        %parallel_loop3A_126 = arith.constant 1.000000e+00 : f32
        %parallel_loop3A_127 = vector.broadcast %parallel_loop3A_126 : f32 to vector<16xf32>
        %parallel_loop3A_128 = arith.addf %parallel_loop3A_125, %parallel_loop3A_127 : vector<16xf32>
        %parallel_loop3A_129 = vector.bitcast %parallel_loop3A_128 : vector<16xf32> to vector<16xi32>
        %parallel_loop3A_130 = arith.constant 1 : i32
        %parallel_loop3A_131 = vector.broadcast %parallel_loop3A_130 : i32 to vector<16xi32>
        %parallel_loop3A_132 = arith.shrsi %parallel_loop3A_129, %parallel_loop3A_131 : vector<16xi32>
        %parallel_loop3A_133 = arith.constant 1597463007 : i32
        %parallel_loop3A_134 = vector.broadcast %parallel_loop3A_133 : i32 to vector<16xi32>
        %parallel_loop3A_135 = arith.subi %parallel_loop3A_134, %parallel_loop3A_132 : vector<16xi32>
        %parallel_loop3A_136 = vector.bitcast %parallel_loop3A_135 : vector<16xi32> to vector<16xf32>
        %parallel_loop3A_137 = arith.constant 5.000000e-01 : f32
        %parallel_loop3A_138 = vector.broadcast %parallel_loop3A_137 : f32 to vector<16xf32>
        %parallel_loop3A_139 = arith.mulf %parallel_loop3A_138, %parallel_loop3A_128 : vector<16xf32>
        %parallel_loop3A_140 = arith.mulf %parallel_loop3A_139, %parallel_loop3A_136 : vector<16xf32>
        %parallel_loop3A_141 = arith.mulf %parallel_loop3A_140, %parallel_loop3A_136 : vector<16xf32>
        %parallel_loop3A_142 = arith.constant 1.500000e+00 : f32
        %parallel_loop3A_143 = vector.broadcast %parallel_loop3A_142 : f32 to vector<16xf32>
        %parallel_loop3A_144 = arith.subf %parallel_loop3A_143, %parallel_loop3A_141 : vector<16xf32>
        %parallel_loop3A_145 = arith.mulf %parallel_loop3A_136, %parallel_loop3A_144 : vector<16xf32>
        %parallel_loop3A_146 = arith.constant 5.000000e-01 : f32
        %parallel_loop3A_147 = vector.broadcast %parallel_loop3A_146 : f32 to vector<16xf32>
        %parallel_loop3A_148 = arith.mulf %parallel_loop3A_147, %parallel_loop3A_128 : vector<16xf32>
        %parallel_loop3A_149 = arith.mulf %parallel_loop3A_148, %parallel_loop3A_145 : vector<16xf32>
        %parallel_loop3A_150 = arith.mulf %parallel_loop3A_149, %parallel_loop3A_145 : vector<16xf32>
        %parallel_loop3A_151 = arith.constant 1.500000e+00 : f32
        %parallel_loop3A_152 = vector.broadcast %parallel_loop3A_151 : f32 to vector<16xf32>
        %parallel_loop3A_153 = arith.subf %parallel_loop3A_152, %parallel_loop3A_150 : vector<16xf32>
        %parallel_loop3A_154 = arith.mulf %parallel_loop3A_145, %parallel_loop3A_153 : vector<16xf32>
        %parallel_loop3A_155 = arith.constant 5.000000e-01 : f32
        %parallel_loop3A_156 = vector.broadcast %parallel_loop3A_155 : f32 to vector<16xf32>
        %parallel_loop3A_157 = arith.mulf %parallel_loop3A_156, %parallel_loop3A_101 : vector<16xf32>
        %parallel_loop3A_158 = arith.mulf %parallel_loop3A_157, %parallel_loop3A_102 : vector<16xf32>
        %parallel_loop3A_159 = arith.subf %parallel_loop3A_124, %parallel_loop3A_154 : vector<16xf32>
        %parallel_loop3A_160 = arith.mulf %parallel_loop3A_121, %parallel_loop3A_159 : vector<16xf32>
        %parallel_loop3A_161 = arith.addf %parallel_loop3A_154, %parallel_loop3A_160 : vector<16xf32>
        %parallel_loop3A_162 = arith.mulf %parallel_loop3A_158, %parallel_loop3A_161 : vector<16xf32>
        tpu.vector_store_idx %arg8[%parallel_loop3A_99], %parallel_loop3A_162 {add = true} : memref<50000xf32, #tpu.memory_space<vmem>>[vector<16xi32>], vector<16xf32>,
      } {sc.loop_unroll_factor = 4 : i64, sc.parallel_access}
      %dma_wait3A_69 = arith.constant 0 : i32
      %dma_wait3A_70 = tpu.memref_slice %arg2[%dma_wait3A_69] : memref<1600000xf32, #tpu.memory_space<hbm>> -> memref<2000xf32, #tpu.memory_space<hbm>>
      %dma_wait3A_71 = arith.constant 0 : i32
      %dma_wait3A_72 = tpu.memref_slice %arg2[%dma_wait3A_71] : memref<1600000xf32, #tpu.memory_space<hbm>> -> memref<2000xf32, #tpu.memory_space<hbm>>
      tpu.wait_dma2 semaphore(%arg16 : memref<!tpu.dma_semaphore, #tpu.memory_space<semaphore_mem>>) src(%dma_wait3A_72 : memref<2000xf32, #tpu.memory_space<hbm>>) dst(%arg10 : memref<2000xf32, #tpu.memory_space<vmem>>)
      %dma_wait3A_73 = arith.constant 0 : i32
      %dma_wait3A_74 = tpu.memref_slice %arg4[%dma_wait3A_73] : memref<1600000xi32, #tpu.memory_space<hbm>> -> memref<2000xi32, #tpu.memory_space<hbm>>
      %dma_wait3A_75 = arith.constant 0 : i32
      %dma_wait3A_76 = tpu.memref_slice %arg4[%dma_wait3A_75] : memref<1600000xi32, #tpu.memory_space<hbm>> -> memref<2000xi32, #tpu.memory_space<hbm>>
      tpu.wait_dma2 semaphore(%arg16 : memref<!tpu.dma_semaphore, #tpu.memory_space<semaphore_mem>>) src(%dma_wait3A_76 : memref<2000xi32, #tpu.memory_space<hbm>>) dst(%arg12 : memref<2000xi32, #tpu.memory_space<vmem>>)
      %dma_wait3A_77 = arith.constant 0 : i32
      %dma_wait3A_78 = tpu.memref_slice %arg5[%dma_wait3A_77] : memref<1600000xi32, #tpu.memory_space<hbm>> -> memref<2000xi32, #tpu.memory_space<hbm>>
      %dma_wait3A_79 = arith.constant 0 : i32
      %dma_wait3A_80 = tpu.memref_slice %arg5[%dma_wait3A_79] : memref<1600000xi32, #tpu.memory_space<hbm>> -> memref<2000xi32, #tpu.memory_space<hbm>>
      tpu.wait_dma2 semaphore(%arg16 : memref<!tpu.dma_semaphore, #tpu.memory_space<semaphore_mem>>) src(%dma_wait3A_80 : memref<2000xi32, #tpu.memory_space<hbm>>) dst(%arg14 : memref<2000xi32, #tpu.memory_space<vmem>>)
      %add3A_81 = arith.constant 2 : i32
      %add3A_82 = arith.addi %mul3A_42, %add3A_81 : i32
      %mul3A_83 = arith.constant 2000 : i32
      %mul3A_84 = arith.muli %add3A_82, %mul3A_83 : i32
      %add3A_85 = arith.addi %mul3A_2, %mul3A_84 : i32
      %dma_start3A_86 = tpu.memref_slice %arg2[%add3A_85] : memref<1600000xf32, #tpu.memory_space<hbm>> -> memref<2000xf32, #tpu.memory_space<hbm>>
      %dma_start3A_87 = tpu.memref_slice %arg2[%add3A_85] : memref<1600000xf32, #tpu.memory_space<hbm>> -> memref<2000xf32, #tpu.memory_space<hbm>>
      tpu.enqueue_dma source(%dma_start3A_87 : memref<2000xf32, #tpu.memory_space<hbm>>) target(%arg9 : memref<2000xf32, #tpu.memory_space<vmem>>) target_semaphore(%arg15 : memref<!tpu.dma_semaphore, #tpu.memory_space<semaphore_mem>>)
      %dma_start3A_88 = tpu.memref_slice %arg4[%add3A_85] : memref<1600000xi32, #tpu.memory_space<hbm>> -> memref<2000xi32, #tpu.memory_space<hbm>>
      %dma_start3A_89 = tpu.memref_slice %arg4[%add3A_85] : memref<1600000xi32, #tpu.memory_space<hbm>> -> memref<2000xi32, #tpu.memory_space<hbm>>
      tpu.enqueue_dma source(%dma_start3A_89 : memref<2000xi32, #tpu.memory_space<hbm>>) target(%arg11 : memref<2000xi32, #tpu.memory_space<vmem>>) target_semaphore(%arg15 : memref<!tpu.dma_semaphore, #tpu.memory_space<semaphore_mem>>)
      %dma_start3A_90 = tpu.memref_slice %arg5[%add3A_85] : memref<1600000xi32, #tpu.memory_space<hbm>> -> memref<2000xi32, #tpu.memory_space<hbm>>
      %dma_start3A_91 = tpu.memref_slice %arg5[%add3A_85] : memref<1600000xi32, #tpu.memory_space<hbm>> -> memref<2000xi32, #tpu.memory_space<hbm>>
      tpu.enqueue_dma source(%dma_start3A_91 : memref<2000xi32, #tpu.memory_space<hbm>>) target(%arg13 : memref<2000xi32, #tpu.memory_space<vmem>>) target_semaphore(%arg15 : memref<!tpu.dma_semaphore, #tpu.memory_space<semaphore_mem>>)
      %parallel_loop3A_92 = arith.constant 0 : i32
      %parallel_loop3A_93 = arith.constant 125 : i32
      %parallel_loop3A_94 = arith.constant 1 : i32
      scf.for %parallel_loop3A_95 = %parallel_loop3A_92 to %parallel_loop3A_93 step %parallel_loop3A_94  : i32 {
        %parallel_loop3A_96 = vector.broadcast %parallel_loop3A_95 : i32 to vector<16xi32>
        %parallel_loop3A_97 = arith.addi %mul3A_5, %parallel_loop3A_96 : vector<16xi32>
        %parallel_loop3A_98 = tpu.vector_load_idx %arg10[%parallel_loop3A_97] : memref<2000xf32, #tpu.memory_space<vmem>>[vector<16xi32>], vector<16xf32>,
        %parallel_loop3A_99 = tpu.vector_load_idx %arg12[%parallel_loop3A_97] : memref<2000xi32, #tpu.memory_space<vmem>>[vector<16xi32>], vector<16xi32>,
        %parallel_loop3A_100 = tpu.vector_load_idx %arg14[%parallel_loop3A_97] : memref<2000xi32, #tpu.memory_space<vmem>>[vector<16xi32>], vector<16xi32>,
        %parallel_loop3A_101 = tpu.vector_load_idx %arg7[%parallel_loop3A_99] : memref<50000xf32, #tpu.memory_space<vmem>>[vector<16xi32>], vector<16xf32>,
        %parallel_loop3A_102 = tpu.vector_load_idx %arg7[%parallel_loop3A_100] : memref<50000xf32, #tpu.memory_space<vmem>>[vector<16xi32>], vector<16xf32>,
        %parallel_loop3A_103 = arith.constant 2.000000e-01 : f32
        %parallel_loop3A_104 = vector.broadcast %parallel_loop3A_103 : f32 to vector<16xf32>
        %parallel_loop3A_105 = arith.mulf %parallel_loop3A_98, %parallel_loop3A_104 : vector<16xf32>
        %parallel_loop3A_106 = arith.constant 1.000000e+00 : f32
        %parallel_loop3A_107 = vector.broadcast %parallel_loop3A_106 : f32 to vector<16xf32>
        %parallel_loop3A_108 = arith.minimumf %parallel_loop3A_105, %parallel_loop3A_107 : vector<16xf32>
        %parallel_loop3A_109 = arith.mulf %parallel_loop3A_108, %parallel_loop3A_108 : vector<16xf32>
        %parallel_loop3A_110 = arith.mulf %parallel_loop3A_109, %parallel_loop3A_108 : vector<16xf32>
        %parallel_loop3A_111 = arith.constant 6.000000e+00 : f32
        %parallel_loop3A_112 = vector.broadcast %parallel_loop3A_111 : f32 to vector<16xf32>
        %parallel_loop3A_113 = arith.mulf %parallel_loop3A_112, %parallel_loop3A_108 : vector<16xf32>
        %parallel_loop3A_114 = arith.constant 1.500000e+01 : f32
        %parallel_loop3A_115 = vector.broadcast %parallel_loop3A_114 : f32 to vector<16xf32>
        %parallel_loop3A_116 = arith.subf %parallel_loop3A_113, %parallel_loop3A_115 : vector<16xf32>
        %parallel_loop3A_117 = arith.mulf %parallel_loop3A_116, %parallel_loop3A_108 : vector<16xf32>
        %parallel_loop3A_118 = arith.constant 1.000000e+01 : f32
        %parallel_loop3A_119 = vector.broadcast %parallel_loop3A_118 : f32 to vector<16xf32>
        %parallel_loop3A_120 = arith.addf %parallel_loop3A_117, %parallel_loop3A_119 : vector<16xf32>
        %parallel_loop3A_121 = arith.mulf %parallel_loop3A_110, %parallel_loop3A_120 : vector<16xf32>
        %parallel_loop3A_122 = arith.constant 1.000000e+00 : f32
        %parallel_loop3A_123 = vector.broadcast %parallel_loop3A_122 : f32 to vector<16xf32>
        %parallel_loop3A_124 = arith.divf %parallel_loop3A_123, %parallel_loop3A_98 : vector<16xf32>
        %parallel_loop3A_125 = arith.mulf %parallel_loop3A_98, %parallel_loop3A_98 : vector<16xf32>
        %parallel_loop3A_126 = arith.constant 1.000000e+00 : f32
        %parallel_loop3A_127 = vector.broadcast %parallel_loop3A_126 : f32 to vector<16xf32>
        %parallel_loop3A_128 = arith.addf %parallel_loop3A_125, %parallel_loop3A_127 : vector<16xf32>
        %parallel_loop3A_129 = vector.bitcast %parallel_loop3A_128 : vector<16xf32> to vector<16xi32>
        %parallel_loop3A_130 = arith.constant 1 : i32
        %parallel_loop3A_131 = vector.broadcast %parallel_loop3A_130 : i32 to vector<16xi32>
        %parallel_loop3A_132 = arith.shrsi %parallel_loop3A_129, %parallel_loop3A_131 : vector<16xi32>
        %parallel_loop3A_133 = arith.constant 1597463007 : i32
        %parallel_loop3A_134 = vector.broadcast %parallel_loop3A_133 : i32 to vector<16xi32>
        %parallel_loop3A_135 = arith.subi %parallel_loop3A_134, %parallel_loop3A_132 : vector<16xi32>
        %parallel_loop3A_136 = vector.bitcast %parallel_loop3A_135 : vector<16xi32> to vector<16xf32>
        %parallel_loop3A_137 = arith.constant 5.000000e-01 : f32
        %parallel_loop3A_138 = vector.broadcast %parallel_loop3A_137 : f32 to vector<16xf32>
        %parallel_loop3A_139 = arith.mulf %parallel_loop3A_138, %parallel_loop3A_128 : vector<16xf32>
        %parallel_loop3A_140 = arith.mulf %parallel_loop3A_139, %parallel_loop3A_136 : vector<16xf32>
        %parallel_loop3A_141 = arith.mulf %parallel_loop3A_140, %parallel_loop3A_136 : vector<16xf32>
        %parallel_loop3A_142 = arith.constant 1.500000e+00 : f32
        %parallel_loop3A_143 = vector.broadcast %parallel_loop3A_142 : f32 to vector<16xf32>
        %parallel_loop3A_144 = arith.subf %parallel_loop3A_143, %parallel_loop3A_141 : vector<16xf32>
        %parallel_loop3A_145 = arith.mulf %parallel_loop3A_136, %parallel_loop3A_144 : vector<16xf32>
        %parallel_loop3A_146 = arith.constant 5.000000e-01 : f32
        %parallel_loop3A_147 = vector.broadcast %parallel_loop3A_146 : f32 to vector<16xf32>
        %parallel_loop3A_148 = arith.mulf %parallel_loop3A_147, %parallel_loop3A_128 : vector<16xf32>
        %parallel_loop3A_149 = arith.mulf %parallel_loop3A_148, %parallel_loop3A_145 : vector<16xf32>
        %parallel_loop3A_150 = arith.mulf %parallel_loop3A_149, %parallel_loop3A_145 : vector<16xf32>
        %parallel_loop3A_151 = arith.constant 1.500000e+00 : f32
        %parallel_loop3A_152 = vector.broadcast %parallel_loop3A_151 : f32 to vector<16xf32>
        %parallel_loop3A_153 = arith.subf %parallel_loop3A_152, %parallel_loop3A_150 : vector<16xf32>
        %parallel_loop3A_154 = arith.mulf %parallel_loop3A_145, %parallel_loop3A_153 : vector<16xf32>
        %parallel_loop3A_155 = arith.constant 5.000000e-01 : f32
        %parallel_loop3A_156 = vector.broadcast %parallel_loop3A_155 : f32 to vector<16xf32>
        %parallel_loop3A_157 = arith.mulf %parallel_loop3A_156, %parallel_loop3A_101 : vector<16xf32>
        %parallel_loop3A_158 = arith.mulf %parallel_loop3A_157, %parallel_loop3A_102 : vector<16xf32>
        %parallel_loop3A_159 = arith.subf %parallel_loop3A_124, %parallel_loop3A_154 : vector<16xf32>
        %parallel_loop3A_160 = arith.mulf %parallel_loop3A_121, %parallel_loop3A_159 : vector<16xf32>
        %parallel_loop3A_161 = arith.addf %parallel_loop3A_154, %parallel_loop3A_160 : vector<16xf32>
        %parallel_loop3A_162 = arith.mulf %parallel_loop3A_158, %parallel_loop3A_161 : vector<16xf32>
        tpu.vector_store_idx %arg8[%parallel_loop3A_99], %parallel_loop3A_162 {add = true} : memref<50000xf32, #tpu.memory_space<vmem>>[vector<16xi32>], vector<16xf32>,
      } {sc.loop_unroll_factor = 4 : i64, sc.parallel_access}
    }
    %scan3A_22 = arith.constant 12 : i32
    %dma_wait3A = arith.constant 0 : i32
    %dma_wait3A_23 = tpu.memref_slice %arg2[%dma_wait3A] : memref<1600000xf32, #tpu.memory_space<hbm>> -> memref<2000xf32, #tpu.memory_space<hbm>>
    %dma_wait3A_24 = arith.constant 0 : i32
    %dma_wait3A_25 = tpu.memref_slice %arg2[%dma_wait3A_24] : memref<1600000xf32, #tpu.memory_space<hbm>> -> memref<2000xf32, #tpu.memory_space<hbm>>
    tpu.wait_dma2 semaphore(%arg15 : memref<!tpu.dma_semaphore, #tpu.memory_space<semaphore_mem>>) src(%dma_wait3A_25 : memref<2000xf32, #tpu.memory_space<hbm>>) dst(%arg9 : memref<2000xf32, #tpu.memory_space<vmem>>)
    %dma_wait3A_26 = arith.constant 0 : i32
    %dma_wait3A_27 = tpu.memref_slice %arg4[%dma_wait3A_26] : memref<1600000xi32, #tpu.memory_space<hbm>> -> memref<2000xi32, #tpu.memory_space<hbm>>
    %dma_wait3A_28 = arith.constant 0 : i32
    %dma_wait3A_29 = tpu.memref_slice %arg4[%dma_wait3A_28] : memref<1600000xi32, #tpu.memory_space<hbm>> -> memref<2000xi32, #tpu.memory_space<hbm>>
    tpu.wait_dma2 semaphore(%arg15 : memref<!tpu.dma_semaphore, #tpu.memory_space<semaphore_mem>>) src(%dma_wait3A_29 : memref<2000xi32, #tpu.memory_space<hbm>>) dst(%arg11 : memref<2000xi32, #tpu.memory_space<vmem>>)
    %dma_wait3A_30 = arith.constant 0 : i32
    %dma_wait3A_31 = tpu.memref_slice %arg5[%dma_wait3A_30] : memref<1600000xi32, #tpu.memory_space<hbm>> -> memref<2000xi32, #tpu.memory_space<hbm>>
    %dma_wait3A_32 = arith.constant 0 : i32
    %dma_wait3A_33 = tpu.memref_slice %arg5[%dma_wait3A_32] : memref<1600000xi32, #tpu.memory_space<hbm>> -> memref<2000xi32, #tpu.memory_space<hbm>>
    tpu.wait_dma2 semaphore(%arg15 : memref<!tpu.dma_semaphore, #tpu.memory_space<semaphore_mem>>) src(%dma_wait3A_33 : memref<2000xi32, #tpu.memory_space<hbm>>) dst(%arg13 : memref<2000xi32, #tpu.memory_space<vmem>>)
    %parallel_loop3A = arith.constant 0 : i32
    %parallel_loop3A_34 = arith.constant 125 : i32
    %parallel_loop3A_35 = arith.constant 1 : i32
    scf.for %parallel_loop3A_36 = %parallel_loop3A to %parallel_loop3A_34 step %parallel_loop3A_35  : i32 {
      %parallel_loop3A_37 = vector.broadcast %parallel_loop3A_36 : i32 to vector<16xi32>
      %parallel_loop3A_38 = arith.addi %mul3A_5, %parallel_loop3A_37 : vector<16xi32>
      %parallel_loop3A_39 = tpu.vector_load_idx %arg9[%parallel_loop3A_38] : memref<2000xf32, #tpu.memory_space<vmem>>[vector<16xi32>], vector<16xf32>,
      %parallel_loop3A_40 = tpu.vector_load_idx %arg11[%parallel_loop3A_38] : memref<2000xi32, #tpu.memory_space<vmem>>[vector<16xi32>], vector<16xi32>,
      %parallel_loop3A_41 = tpu.vector_load_idx %arg13[%parallel_loop3A_38] : memref<2000xi32, #tpu.memory_space<vmem>>[vector<16xi32>], vector<16xi32>,
      %parallel_loop3A_42 = tpu.vector_load_idx %arg7[%parallel_loop3A_40] : memref<50000xf32, #tpu.memory_space<vmem>>[vector<16xi32>], vector<16xf32>,
      %parallel_loop3A_43 = tpu.vector_load_idx %arg7[%parallel_loop3A_41] : memref<50000xf32, #tpu.memory_space<vmem>>[vector<16xi32>], vector<16xf32>,
      %parallel_loop3A_44 = arith.constant 2.000000e-01 : f32
      %parallel_loop3A_45 = vector.broadcast %parallel_loop3A_44 : f32 to vector<16xf32>
      %parallel_loop3A_46 = arith.mulf %parallel_loop3A_39, %parallel_loop3A_45 : vector<16xf32>
      %parallel_loop3A_47 = arith.constant 1.000000e+00 : f32
      %parallel_loop3A_48 = vector.broadcast %parallel_loop3A_47 : f32 to vector<16xf32>
      %parallel_loop3A_49 = arith.minimumf %parallel_loop3A_46, %parallel_loop3A_48 : vector<16xf32>
      %parallel_loop3A_50 = arith.mulf %parallel_loop3A_49, %parallel_loop3A_49 : vector<16xf32>
      %parallel_loop3A_51 = arith.mulf %parallel_loop3A_50, %parallel_loop3A_49 : vector<16xf32>
      %parallel_loop3A_52 = arith.constant 6.000000e+00 : f32
      %parallel_loop3A_53 = vector.broadcast %parallel_loop3A_52 : f32 to vector<16xf32>
      %parallel_loop3A_54 = arith.mulf %parallel_loop3A_53, %parallel_loop3A_49 : vector<16xf32>
      %parallel_loop3A_55 = arith.constant 1.500000e+01 : f32
      %parallel_loop3A_56 = vector.broadcast %parallel_loop3A_55 : f32 to vector<16xf32>
      %parallel_loop3A_57 = arith.subf %parallel_loop3A_54, %parallel_loop3A_56 : vector<16xf32>
      %parallel_loop3A_58 = arith.mulf %parallel_loop3A_57, %parallel_loop3A_49 : vector<16xf32>
      %parallel_loop3A_59 = arith.constant 1.000000e+01 : f32
      %parallel_loop3A_60 = vector.broadcast %parallel_loop3A_59 : f32 to vector<16xf32>
      %parallel_loop3A_61 = arith.addf %parallel_loop3A_58, %parallel_loop3A_60 : vector<16xf32>
      %parallel_loop3A_62 = arith.mulf %parallel_loop3A_51, %parallel_loop3A_61 : vector<16xf32>
      %parallel_loop3A_63 = arith.constant 1.000000e+00 : f32
      %parallel_loop3A_64 = vector.broadcast %parallel_loop3A_63 : f32 to vector<16xf32>
      %parallel_loop3A_65 = arith.divf %parallel_loop3A_64, %parallel_loop3A_39 : vector<16xf32>
      %parallel_loop3A_66 = arith.mulf %parallel_loop3A_39, %parallel_loop3A_39 : vector<16xf32>
      %parallel_loop3A_67 = arith.constant 1.000000e+00 : f32
      %parallel_loop3A_68 = vector.broadcast %parallel_loop3A_67 : f32 to vector<16xf32>
      %parallel_loop3A_69 = arith.addf %parallel_loop3A_66, %parallel_loop3A_68 : vector<16xf32>
      %parallel_loop3A_70 = vector.bitcast %parallel_loop3A_69 : vector<16xf32> to vector<16xi32>
      %parallel_loop3A_71 = arith.constant 1 : i32
      %parallel_loop3A_72 = vector.broadcast %parallel_loop3A_71 : i32 to vector<16xi32>
      %parallel_loop3A_73 = arith.shrsi %parallel_loop3A_70, %parallel_loop3A_72 : vector<16xi32>
      %parallel_loop3A_74 = arith.constant 1597463007 : i32
      %parallel_loop3A_75 = vector.broadcast %parallel_loop3A_74 : i32 to vector<16xi32>
      %parallel_loop3A_76 = arith.subi %parallel_loop3A_75, %parallel_loop3A_73 : vector<16xi32>
      %parallel_loop3A_77 = vector.bitcast %parallel_loop3A_76 : vector<16xi32> to vector<16xf32>
      %parallel_loop3A_78 = arith.constant 5.000000e-01 : f32
      %parallel_loop3A_79 = vector.broadcast %parallel_loop3A_78 : f32 to vector<16xf32>
      %parallel_loop3A_80 = arith.mulf %parallel_loop3A_79, %parallel_loop3A_69 : vector<16xf32>
      %parallel_loop3A_81 = arith.mulf %parallel_loop3A_80, %parallel_loop3A_77 : vector<16xf32>
      %parallel_loop3A_82 = arith.mulf %parallel_loop3A_81, %parallel_loop3A_77 : vector<16xf32>
      %parallel_loop3A_83 = arith.constant 1.500000e+00 : f32
      %parallel_loop3A_84 = vector.broadcast %parallel_loop3A_83 : f32 to vector<16xf32>
      %parallel_loop3A_85 = arith.subf %parallel_loop3A_84, %parallel_loop3A_82 : vector<16xf32>
      %parallel_loop3A_86 = arith.mulf %parallel_loop3A_77, %parallel_loop3A_85 : vector<16xf32>
      %parallel_loop3A_87 = arith.constant 5.000000e-01 : f32
      %parallel_loop3A_88 = vector.broadcast %parallel_loop3A_87 : f32 to vector<16xf32>
      %parallel_loop3A_89 = arith.mulf %parallel_loop3A_88, %parallel_loop3A_69 : vector<16xf32>
      %parallel_loop3A_90 = arith.mulf %parallel_loop3A_89, %parallel_loop3A_86 : vector<16xf32>
      %parallel_loop3A_91 = arith.mulf %parallel_loop3A_90, %parallel_loop3A_86 : vector<16xf32>
      %parallel_loop3A_92 = arith.constant 1.500000e+00 : f32
      %parallel_loop3A_93 = vector.broadcast %parallel_loop3A_92 : f32 to vector<16xf32>
      %parallel_loop3A_94 = arith.subf %parallel_loop3A_93, %parallel_loop3A_91 : vector<16xf32>
      %parallel_loop3A_95 = arith.mulf %parallel_loop3A_86, %parallel_loop3A_94 : vector<16xf32>
      %parallel_loop3A_96 = arith.constant 5.000000e-01 : f32
      %parallel_loop3A_97 = vector.broadcast %parallel_loop3A_96 : f32 to vector<16xf32>
      %parallel_loop3A_98 = arith.mulf %parallel_loop3A_97, %parallel_loop3A_42 : vector<16xf32>
      %parallel_loop3A_99 = arith.mulf %parallel_loop3A_98, %parallel_loop3A_43 : vector<16xf32>
      %parallel_loop3A_100 = arith.subf %parallel_loop3A_65, %parallel_loop3A_95 : vector<16xf32>
      %parallel_loop3A_101 = arith.mulf %parallel_loop3A_62, %parallel_loop3A_100 : vector<16xf32>
      %parallel_loop3A_102 = arith.addf %parallel_loop3A_95, %parallel_loop3A_101 : vector<16xf32>
      %parallel_loop3A_103 = arith.mulf %parallel_loop3A_99, %parallel_loop3A_102 : vector<16xf32>
      tpu.vector_store_idx %arg8[%parallel_loop3A_40], %parallel_loop3A_103 {add = true} : memref<50000xf32, #tpu.memory_space<vmem>>[vector<16xi32>], vector<16xf32>,
    } {sc.loop_unroll_factor = 4 : i64, sc.parallel_access}
    "tpu.region"() ({
      %run_scoped3A = tpu.sem_alloc : memref<!tpu.dma_semaphore, #tpu.memory_space<semaphore_mem>>
      %dma_start3A_36 = arith.constant 0 : i32
      %dma_start3A_37 = tpu.memref_slice %arg6[%add3A, %dma_start3A_36] : memref<32x50000xf32, #tpu.memory_space<hbm>> -> memref<1x50000xf32, #tpu.memory_space<hbm>>
      %dma_start3A_38 = tpu.memref_squeeze %dma_start3A_37 : memref<1x50000xf32, #tpu.memory_space<hbm>> -> memref<50000xf32, #tpu.memory_space<hbm>>
      %dma_start3A_39 = arith.constant 0 : i32
      %dma_start3A_40 = tpu.memref_slice %arg6[%add3A, %dma_start3A_39] : memref<32x50000xf32, #tpu.memory_space<hbm>> -> memref<1x50000xf32, #tpu.memory_space<hbm>>
      %dma_start3A_41 = tpu.memref_squeeze %dma_start3A_40 : memref<1x50000xf32, #tpu.memory_space<hbm>> -> memref<50000xf32, #tpu.memory_space<hbm>>
      tpu.enqueue_dma source(%arg8 : memref<50000xf32, #tpu.memory_space<vmem>>) target(%dma_start3A_41 : memref<50000xf32, #tpu.memory_space<hbm>>) target_semaphore(%run_scoped3A : memref<!tpu.dma_semaphore, #tpu.memory_space<semaphore_mem>>)
      %dma_wait3A_42 = arith.constant 0 : i32
      %dma_wait3A_43 = tpu.memref_slice %arg6[%add3A, %dma_wait3A_42] : memref<32x50000xf32, #tpu.memory_space<hbm>> -> memref<1x50000xf32, #tpu.memory_space<hbm>>
      %dma_wait3A_44 = tpu.memref_squeeze %dma_wait3A_43 : memref<1x50000xf32, #tpu.memory_space<hbm>> -> memref<50000xf32, #tpu.memory_space<hbm>>
      %dma_wait3A_45 = arith.constant 0 : i32
      %dma_wait3A_46 = tpu.memref_slice %arg6[%add3A, %dma_wait3A_45] : memref<32x50000xf32, #tpu.memory_space<hbm>> -> memref<1x50000xf32, #tpu.memory_space<hbm>>
      %dma_wait3A_47 = tpu.memref_squeeze %dma_wait3A_46 : memref<1x50000xf32, #tpu.memory_space<hbm>> -> memref<50000xf32, #tpu.memory_space<hbm>>
      tpu.wait_dma2 semaphore(%run_scoped3A : memref<!tpu.dma_semaphore, #tpu.memory_space<semaphore_mem>>) src(%arg8 : memref<50000xf32, #tpu.memory_space<vmem>>) dst(%dma_wait3A_47 : memref<50000xf32, #tpu.memory_space<hbm>>)
      tpu.yield
    }) : () -> ()
    return
  }
}

module attributes {stable_mosaic.version = 14 : i64} {
  func.func @_merge_body(%arg0: memref<32x50000xf32, #tpu.memory_space<vmem>>, %arg1: memref<50000xf32, #tpu.memory_space<vmem>>) attributes {dimension_semantics = [], scalar_prefetch = 0 : i64, scratch_operands = 0 : i64, tpu.core_type = #tpu.core_type<tc>} {
    %get3A = arith.constant 0 : index
    %get3A_0 = arith.constant 0 : index
    %get3A_1 = vector.load %arg0[%get3A, %get3A_0] : memref<32x50000xf32, #tpu.memory_space<vmem>>, vector<32x50000xf32>
    %reduce_sum3A = arith.constant dense<0.000000e+00> : vector<50000xf32>
    %reduce_sum3A_2 = vector.multi_reduction <add>, %get3A_1, %reduce_sum3A [0] : vector<32x50000xf32> to vector<50000xf32>
    %swap3A = arith.constant 0 : index
    %swap3A_3 = vector.load %arg1[%swap3A] : memref<50000xf32, #tpu.memory_space<vmem>>, vector<50000xf32>
    tpu.vector_store %arg1[%swap3A], %reduce_sum3A_2 {strides = array<i32>} : memref<50000xf32, #tpu.memory_space<vmem>>, vector<50000xf32>,
    return
  }
}

</mosaic_0001>

<sc_bundles>
// kernel: kernel.4.cloned.1.call-start
scs
__scs_entry_jumppad:
0x0: {  	(pc) =	sbr.rel $0x88, $3  }
0x1: {  	(tag) =	ssettag $0x0;
	lr =	simm.s32 $0x1  }
0x2: {  	[smem:$0x3F9D] =	sst lr;
	_ =	strace $0xD0000000  }
0x3: {  	_ = 	snop  }
0x4: {  	_ = 	snop  }
0x5: {  	_ = 	snop  }
0x6: {  	_ = 	snop  }
0x7: {  	_ = 	snop  }
__scs_overlays_trampoline_lowered:
0x8: {  	[smem:$0x3FAC] =	sst s0  }
0x9: {  	[smem:$0x3FAD] =	sst s1  }
0xa: {  	[smem:$0x3FAE] =	sst s2  }
0xb: {  	[smem:$0x3FAF] =	sst s3  }
0xc: {  	[smem:$0x3FB0] =	sst s4  }
0xd: {  	[smem:$0x3FB1] =	sst s5  }
0xe: {  	[smem:$0x3FB2] =	sst s6  }
0xf: {  	[smem:$0x3FB3] =	sst s7  }
0x10: {  	[smem:$0x3FB4] =	sst s8  }
0x11: {  	[smem:$0x3FB5] =	sst s9;
	s0 =	simm.s32 @!p0 $0x0  }
0x12: {  	s1 =	sld [smem:$0x3F9B];
	s0 =	simm.s32 @p0 $0x1  }
0x13: {  	[smem:$0x3FB6] =	sst s0;
	s0 =	simm.s32 @!p1 $0x0  }
0x14: {  	s2 =	sld [smem:$0x3F9A];
	s0 =	simm.s32 @p1 $0x1  }
0x15: {  	[smem:$0x3FB7] =	sst s0;
	s0 =	simm.s32 @!p2 $0x0  }
0x16: {  	s3 =	sld [smem:$0x3FDB];
	s0 =	simm.s32 @p2 $0x1  }
0x17: {  	s4 =	simm.s32 $0x1BF5;
	[smem:$0x3FB9] =	sst s0  }
0x18: {  	s0 =	sld [smem:$0x3F9C];
	_ =	swait.ge [sflag:s4], $0x0  }
0x19: {  	s7 =	sld [smem:$0x3F9D]  }
0x1a: {  	s8 =	sadd.s32 $0xFFFFE003, lr  }
0x1b: {  	s9 =	sadd.s32 $0xFFFFFEF7, lr;
	s5 =	simm.s32 $0xFFFFFFFF;
	p2 =	slt.u32 s8, $0xFFFFF086  }
0x1c: {  	p1 =	slt.u32 s9, $0xF7A;
	s5 =	simm.s32 @!p2 $0x0  }
0x1d: {  	s5 =	simm.s32 @p1 $0x1;
	p0 =	seq.s32 s7, s2  }
0x1e: {  	s7 =	smul.u32 @!p0 $0xF7A, s2;
	p2 =	seq.s32 @!p0 s5, $0x0  }
0x1f: {  	s9 =	smul.u32 $0xF7A, s1;
	s8 =	simm.s32 @!p0 $0x1BF5;
	p2 =	por !p2, p0  }
0x20: {  	[sflag:s8] =	ssyncset.s32 @!p0 $0xFFFFF086;
	s6 =	sadd.s32 @!p0 s3, s7;
	s7 =	simm.s32 @!p0 $0x108  }
0x21: {  	s3 =	sadd.s32 s3, s9;
	s6 =	sadd.s32 @!p0 $0x88, s6;
	s7 =	simm.s32 @p2 $0x1082  }
0x22: {  	[simem:s7], [sflag:s8] =	dma.local @!p0 [hbm:s6], $0xF7A  }
0x23: {  	s9 =	sor.u32 $0xD0000000, s2;
	s6 =	simm.s32 $0x108;
	_ =	swait.ge @!p0 [sflag:s8], $0x0  }
0x24: {  	s3 =	sadd.s32 $0x88, s3;
	s6 =	simm.s32 @!p1 $0x1082;
	[sflag:s4] =	ssyncset.s32 $0xFFFFF086  }
0x25: {  	[simem:s6], [sflag:s4] =	dma.local [hbm:s3], $0xF7A  }
0x26: {  	[smem:$0x3F9D] =	sst s1;
	(tag) =	ssettag s2;
	_ =	strace s9  }
0x27: {  	s1 =	sld [smem:$0x3FAD]  }
0x28: {  	s2 =	sld [smem:$0x3FAE]  }
0x29: {  	s4 =	sld [smem:$0x3FB0]  }
0x2a: {  	p0 =	seq.s32 s5, $0x0;
	s5 =	sld [smem:$0x3FB1]  }
0x2b: {  	s6 =	sld [smem:$0x3FB2]  }
0x2c: {  	s7 =	sld [smem:$0x3FB3]  }
0x2d: {  	s3 =	simm.s32 $0x108;
	s8 =	sld [smem:$0x3FB4]  }
0x2e: {  	s3 =	simm.s32 @!p0 $0x1082;
	s9 =	sld [smem:$0x3FB5]  }
0x2f: {  	lr =	sadd.s32 s0, s3;
	s0 =	sld [smem:$0x3FAC]  }
0x30: {  	s3 =	sld [smem:$0x3FAF]  }
0x31: {  	[smem:$0x3FB8] =	sst s10  }
0x32: {  	s10 =	sld [smem:$0x3FB6];
	_ =	sdelay $0x3  }
0x33: {  	p0 =	seq.s32 s10, $0x1;
	s10 =	sld [smem:$0x3FB8];
	_ =	sdelay $0x3  }
0x34: {  	[smem:$0x3FB8] =	sst s10  }
0x35: {  	s10 =	sld [smem:$0x3FB7];
	_ =	sdelay $0x3  }
0x36: {  	p1 =	seq.s32 s10, $0x1;
	s10 =	sld [smem:$0x3FB8];
	_ =	sdelay $0x3  }
0x37: {  	[smem:$0x3FB8] =	sst s10  }
0x38: {  	s10 =	sld [smem:$0x3FB9]  }
0x39: {  	_ = 	snop;
	(pc) =	sbr.ind lr, $3  }
0x3a: {  	_ = 	snop  }
0x3b: {  	_ = 	snop  }
0x3c: {  	p2 =	seq.s32 s10, $0x1;
	s10 =	sld [smem:$0x3FB8]  }
0x3d: {  	_ =	shalt  }
0x3e: {  	_ =	shalt  }
0x3f: {  	_ =	shalt  }
0x40: {  	_ =	shalt  }
0x41: {  	_ =	shalt  }
0x42: {  	_ =	shalt  }
0x43: {  	_ =	shalt  }
0x44: {  	_ =	shalt  }
0x45: {  	_ =	shalt  }
0x46: {  	_ =	shalt  }
0x47: {  	_ =	shalt  }
0x48: {  	_ =	shalt  }
0x49: {  	_ =	shalt  }
0x4a: {  	_ =	shalt  }
0x4b: {  	_ =	shalt  }
0x4c: {  	_ =	shalt  }
0x4d: {  	_ =	shalt  }
0x4e: {  	_ =	shalt  }
0x4f: {  	_ =	shalt  }
0x50: {  	_ =	shalt  }
0x51: {  	_ =	shalt  }
0x52: {  	_ =	shalt  }
0x53: {  	_ =	shalt  }
0x54: {  	_ =	shalt  }
0x55: {  	_ =	shalt  }
0x56: {  	_ =	shalt  }
0x57: {  	_ =	shalt  }
0x58: {  	_ =	shalt  }
0x59: {  	_ =	shalt  }
0x5a: {  	_ =	shalt  }
0x5b: {  	_ =	shalt  }
0x5c: {  	_ =	shalt  }
0x5d: {  	_ =	shalt  }
0x5e: {  	_ =	shalt  }
0x5f: {  	_ =	shalt  }
0x60: {  	_ =	shalt  }
0x61: {  	_ =	shalt  }
0x62: {  	_ =	shalt  }
0x63: {  	_ =	shalt  }
0x64: {  	_ =	shalt  }
0x65: {  	_ =	shalt  }
0x66: {  	_ =	shalt  }
0x67: {  	_ =	shalt  }
0x68: {  	_ =	shalt  }
0x69: {  	_ =	shalt  }
0x6a: {  	_ =	shalt  }
0x6b: {  	_ =	shalt  }
0x6c: {  	_ =	shalt  }
0x6d: {  	_ =	shalt  }
0x6e: {  	_ =	shalt  }
0x6f: {  	_ =	shalt  }
0x70: {  	_ =	shalt  }
0x71: {  	_ =	shalt  }
0x72: {  	_ =	shalt  }
0x73: {  	_ =	shalt  }
0x74: {  	_ =	shalt  }
0x75: {  	_ =	shalt  }
0x76: {  	_ =	shalt  }
0x77: {  	_ =	shalt  }
0x78: {  	_ =	shalt  }
0x79: {  	_ =	shalt  }
0x7a: {  	_ =	shalt  }
0x7b: {  	_ =	shalt  }
0x7c: {  	_ =	shalt  }
0x7d: {  	_ =	shalt  }
0x7e: {  	_ =	shalt  }
0x7f: {  	_ =	shalt  }
0x80: {  	_ =	shalt  }
0x81: {  	_ =	shalt  }
0x82: {  	_ =	shalt  }
0x83: {  	_ =	shalt  }
0x84: {  	_ =	shalt  }
0x85: {  	_ =	shalt  }
0x86: {  	_ =	shalt  }
0x87: {  	_ =	shalt  }
.Lfunc_end0:
.L_simem_size_0:
called_computation_lowered:
.L_overlay_start_0:
0x88: {  	s2 =	sld [smem:$0x3FD9]  }
0x89: {  	s3 =	sld [smem:$0x3FFE];
	_ =	sdelay $0x1  }
0x8a: {  	s1 =	srdreg.scid  }
0x8b: {  	s0 =	sand.u32 $0x1, s1  }
0x8c: {  	s17 =	sshll.u32 s0, $0xA;
	s2 =	sadd.s32 s3, s2  }
0x8d: {  	s2 =	sadd.s32 s2, s17  }
0x8e: {  	[smem:$0x3FC4] =	sst s2  }
0x8f: {  	_ = 	snop  }
0x90: {  	s2 =	sld [smem:$0x3FC9]  }
0x91: {  	s18 =	sld [smem:$0x3FC8]  }
0x92: {  	s4 =	sld [smem:$0x3FC7]  }
0x93: {  	s5 =	sld [smem:$0x3FC6];
	(tm) =	ssettm $0x1  }
0x94: {  	s6 =	sld [smem:$0x3FFB];
	_ =	sdelay $0x3  }
0x95: {  	_ =	strace s6  }
0x96: {  	s6 =	sld [smem:$0x3FFC];
	_ =	sdelay $0x3  }
0x97: {  	_ =	strace s6  }
0x98: {  	s6 =	sld [smem:$0x3FFD];
	_ =	sdelay $0x3  }
0x99: {  	_ =	strace s6  }
0x9a: {  	_ =	strace $0x8FFFFFFF  }
0x9b: {  	s19 =	sld [smem:$0x3FDB];
	_ =	sdelay $0x1  }
0x9c: {  	s7 =	simm.s32 $_scs_section_size  }
0x9d: {  	s8 =	simm.s32 $_size__tile_overlayer_lowered;
	s9 =	simm.s32 $_tile_overlayer_lowered  }
0x9e: {  	s22 =	simm.s32 $0x1BFF;
	s21 =	sshll.u32 s9, $0x1;
	s6 =	sadd.s32 s7, s19  }
0x9f: {  	s10 =	simm.s32 $0x0;
	s20 =	sshll.u32 s8, $0x1;
	s8 =	sadd.s32 s21, s6  }
0xa0: {  	[timem:s10], [sflag:s22] =	dma.local [hbm:s8], s20  }
0xa1: {  	_ =	swait.ge [sflag:s22], s20  }
0xa2: {  	s7 =	ssub.s32 $0x0, s20;
	[sflag:s22] =	ssyncset.done $0x0  }
0xa3: {  	[sflag:s22] =	ssyncadd.s32 s7;
	_ =	sdelay $0x1  }
0xa4: {  	s23 =	simm.s32 $0x1B8B  }
0xa5: {  	_ =	swait.ge [sflag:s23], $0x1  }
0xa6: {  	[sflag:s23] =	ssyncset.done $0x0  }
0xa7: {  	s25 =	simm.s32 $0x1B8E;
	s24 =	sld [smem:$0x3FFE];
	[sflag:s23] =	ssyncadd.s32 $0xFFFFFFFF  }
0xa8: {  	s26 =	simm.s32 $execute0_lowered;
	[smem:$0x3FD2] =	sst s25  }
0xa9: {  	s8 =	sshll.u32 s26, $0x1;
	_ =	strace $0x80000046;
	[dreg:$0x1] =	wrdreg $0xFFFFFFFF  }
0xaa: {  	s28 =	simm.s32 $_size_execute0_lowered;
	s6 =	sadd.s32 s6, s8;
	[dreg:$0x0] =	wrdreg $0x0  }
0xab: {  	s8 =	sshll.u32 s28, $0x1;
	[dreg:$0x2] =	wrdreg s6  }
0xac: {  	[dreg:$0x3] =	wrdreg s8  }
0xad: {  	[dreg:$0x4] =	wrdreg $0xC0  }
0xae: {  	_ =	task [dreg:s10], $0x5FFFF  }
0xaf: {  	[dreg:$0x1] =	wrdreg $0xFFFFFFFF  }
0xb0: {  	[dreg:$0x0] =	wrdreg $0x60  }
0xb1: {  	[dreg:$0x2] =	wrdreg s2  }
0xb2: {  	[dreg:$0x3] =	wrdreg s18  }
0xb3: {  	[dreg:$0x4] =	wrdreg s4  }
0xb4: {  	[dreg:$0x5] =	wrdreg s5  }
0xb5: {  	[dreg:$0x6] =	wrdreg s24  }
0xb6: {  	[dreg:$0x7] =	wrdreg $0x9  }
0xb7: {  	_ =	task.clear_ibuf [dreg:s10], $0x8FFFF;
	_ =	strace $0x90000046  }
0xb8: {  	s29 =	simm.s32 $0x9;
	_ =	strace $0x80000048  }
0xb9: {  	_ =	swait.ge [sflag:s29], $0x1  }
0xba: {  	[sflag:s29] =	ssyncadd.s32 $0xFFFFFFFF  }
0xbb: {  	_ =	strace $0x90000048  }
0xbc: {  	_ =	sfence  }
0xbd: {  	s30 =	sld [smem:$0x0];
	_ =	sdelay $0x2  }
0xbe: {  	s31 =	sshll.u32 s1, $0xD;
	s1 =	sshrl.u32 s1, $0x2  }
0xbf: {  	s3 =	sand.u32 $0x4000, s31;
	s1 =	sadd.s32 s1, s30  }
0xc0: {  	s0 =	sor.u32 s3, s0;
	s1 =	sshll.u32 s1, $0x11  }
0xc1: {  	s0 =	sor.u32 s1, s0  }
0xc2: {  	s0 =	sadd.s32 $0x8F2B, s0  }
0xc3: {  	[sflag:s0] =	ssyncadd.remote.s32 $0x1  }
0xc4: {  	_ =	sfence.sel $0xFFFF  }
0xc5: {  	[dreg:$0x0] =	wrdreg $0xFFFFFFFF;
	(pc) =	sbr.abs _section_cstart, $3  }
0xc6: {  	[dreg:$0x1] =	wrdreg $0xFFFFFFFF  }
0xc7: {  	_ =	task.clear_ibuf [dreg:s10], $0x2FFFF;
	_ =	strace $0x9FFFFFFF  }
0xc8: {  	(tm) =	ssettm $0x7FFFFFFF  }
0xc9: {  	_ =	shalt  }
tec
execute0_lowered:
.L_overlay_start_1:
0x0: {  	(tag) =	ssettag $0x1  }
0x1: {  	s0 =	rddreg [dreg:$0x0]  }
0x2: {  	s2 =	srdreg.scid;
	s3 =	rddreg [dreg:$0x2]  }
0x3: {  	s5 =	rddreg [dreg:$0x3];
	s1 =	stileid.u32  }
0x4: {  	s7 =	rddreg [dreg:$0x4];
	s6 =	simm.s32 $0x0;
	s14 =	simm.s32 $0x18700  }
0x5: {  	s15 =	simm.s32 $0x19700;
	s16 =	simm.s32 $0x1A700;
	s17 =	simm.s32 $0x3  }
0x6: {  	s18 =	simm.s32 $0x1;
	s19 =	simm.s32 $0x18F00;
	s20 =	simm.s32 $0x19F00  }
0x7: {  	s21 =	simm.s32 $0x1AF00;
	s22 =	simm.s32 $0xC380;
	s2 =	sand.u32 $0x1, s2  }
0x8: {  	s23 =	simm.s32 $0x2;
	s26 =	simm.s32 $0x4;
	s4 =	sshll.u32 s2, $0x4  }
0x9: {  	s28 =	simm.s32 $0x0;
	s29 =	simm.s32 $0x0;
	s4 =	sor.u32 s1, s4  }
0xa: {  	s9 =	sshll.u32 s1, $0x7;
	s2 =	ssub.s32 $0x2, s2;
	s8 =	sshrl.u32 s4, $0x3  }
0xb: {  	[smem:$0x7FF] =	sst s6;
	s30 =	sshrl.u32 s2, $0x1;
	s8 =	smul.u32 $0x61C00, s8  }
0xc: {  	s9 =	sand.u32 $0x380, s9;
	s4 =	smul.u32 $0xC350, s4;
	s2 =	ssub.s32 s2, s30  }
0xd: {  	v0 =	vlaneseq.u32;
	_ =	strace $0x80000047;
	s13 =	smax.u32 s2, $0x1;
	s8 =	sor.u32 s9, s8  }
0xe: {  	v0 =	vmul.u32 $0x7D, v0;
	s31 =	sshrl.u32 s4, $0x3;
	s10 =	sadd.s32 $0x7D0, s4;
	s8 =	sshrl.u32 s8, $0x3  }
0xf: {  	s11 =	sadd.s32 $0xFA0, s4;
	s9 =	sadd.s32 s5, s31;
	s12 =	sadd.s32 s8, s7  }
0x10: {  	v1 =	vimm.f32 $0.0e+00;
	v2 =	vadd.s32 $0x7C, v0;
	s7 =	sadd.s32 s0, s31;
	s8 =	sadd.s32 s3, s31;
	s12 =	sadd.s32 $0x800, s12  }
.LBB2_1:
0x11: {  	s1 =	rddreg [dreg:$0x1]  }
0x12: {  	[tilespmem:s6], [sflag:$0x3] =	stream.linear.gather [hbm4b:s1+s6], $0xC380, $0x38;
	[tilespmem:$0x1B700] =	vst v63  }
0x13: {  	_ = 	snop  }
0x14: {  	[tilespmem:s14], [sflag:$0x1] =	stream.linear.gather [hbm4b:s7+s6], $0x7D0, $0x38;
	[tilespmem:$0x1B700] =	vst v63  }
0x15: {  	_ = 	snop  }
0x16: {  	[tilespmem:s15], [sflag:$0x1] =	stream.linear.gather [hbm4b:s8+s6], $0x7D0, $0x38;
	[tilespmem:$0x1B700] =	vst v63  }
0x17: {  	s2 =	simm.s32 $0x40;
	s4 =	simm.s32 $0x0  }
0x18: {  	[tilespmem:s16], [sflag:$0x1] =	stream.linear.gather [hbm4b:s9+s6], $0x7D0, $0x38;
	[tilespmem:$0x1B700] =	vst v63  }
.LBB2_2:
0x19: {  	p0 =	sne.s32 s2, $0x30D00;
	[tilespmem:s4+$0xC380] =	vst v1;
	s4 =	smov.u32 s2;
	s2 =	sadd.s32 $0x40, s2  }
.Ltmp0:
0x1a: {  	(pc) =	sbr.rel @p0 .LBB2_2-.Ltmp0, $2  }
0x1b: {  	_ =	sdelay $0x2  }
0x1c: {  	s4 =	sshra.s32 s4, $0x2  }
0x1d: {  	[tilespmem:s4+$0xC380] =	vst v1  }
0x1e: {  	_ =	swait.ge [sflag:s17], $0xC380  }
0x1f: {  	[sflag:s17] =	ssyncset.done $0x0  }
0x20: {  	s30 =	simm.s32 $0x0;
	[sflag:s17] =	ssyncadd.s32 $0xFFFF3C80  }
.LBB2_4:
0x21: {  	_ =	swait.ge [sflag:s18], $0x7D0  }
0x22: {  	[sflag:s18] =	ssyncset.done $0x0  }
0x23: {  	[sflag:s18] =	ssyncadd.s32 $0xFFFFF830  }
0x24: {  	_ =	swait.ge [sflag:s18], $0x7D0  }
0x25: {  	s31 =	smul.u32 $0xFA0, s30;
	[sflag:s18] =	ssyncset.done $0x0  }
0x26: {  	[sflag:s18] =	ssyncadd.s32 $0xFFFFF830  }
0x27: {  	s2 =	sadd.s32 s31, s10;
	_ =	swait.ge [sflag:s18], $0x7D0  }
0x28: {  	s25 =	simm.s32 $0x1;
	s2 =	sshrl.u32 s2, $0x3;
	[sflag:s18] =	ssyncset.done $0x0  }
0x29: {  	s24 =	simm.s32 $0x3;
	s4 =	sadd.s32 s0, s2;
	[sflag:s18] =	ssyncadd.s32 $0xFFFFF830  }
0x2a: {  	v5 =	vadd.s32 s25, v0;
	[tilespmem:s19], [sflag:$0x2] =	stream.linear.gather [hbm4b:s4+s29], $0x7D0, $0x38;
	[tilespmem:$0x1B700] =	vst v63  }
0x2b: {  	v6 =	vadd.s32 s24, v0;
	s1 =	sadd.s32 s3, s2;
	s25 =	sadd.s32 s5, s2;
	s2 =	simm.s32 $0x2  }
0x2c: {  	[tilespmem:s20], [sflag:$0x2] =	stream.linear.gather [hbm4b:s1+s29], $0x7D0, $0x38;
	[tilespmem:$0x1B700] =	vst v63  }
0x2d: {  	v9 =	vadd.s32 s2, v0  }
0x2e: {  	[tilespmem:s21], [sflag:$0x2] =	stream.linear.gather [hbm4b:s25+s29], $0x7D0, $0x38;
	[tilespmem:$0x1B700] =	vst v63  }
0x2f: {  	v4 =	vld.idx.msk [tilespmem:v5+s15+$0x0], $0xffff  }
0x30: {  	v3 =	vld.idx.msk [tilespmem:v6+s15+$0x0], $0xffff  }
0x31: {  	v7 =	vld.idx.msk [tilespmem:v6+s16+$0x0], $0xffff  }
0x32: {  	v8 =	vld.idx.msk [tilespmem:v9+s14+$0x0], $0xffff  }
0x33: {  	v6 =	vld.idx.msk [tilespmem:v6+s14+$0x0], $0xffff  }
0x34: {  	v12 =	vld.idx.msk [tilespmem:v5+s14+$0x0], $0xffff;
	_ =	sdelay $0x2  }
0x35: {  	v13 =	vmul.f32 v8, v8  }
0x36: {  	(erf) = vrcp.f32 v8;
	v17 =	vmul.f32 $2.000000030e-01, v8;
	v10 =	vld.idx.msk [tilespmem:v4+s6+$0x0], $0xffff  }
0x37: {  	v26 =	vadd.s32 s29, v0;
	v14 =	vmul.f32 v6, v6;
	v16 =	vmul.f32 v12, v12;
	v11 =	vld.idx.msk [tilespmem:v3+s6+$0x0], $0xffff  }
0x38: {  	(erf) = vrcp.f32 v6;
	v6 =	vmul.f32 $2.000000030e-01, v6;
	v17 =	vmin.f32 v17, $1.000000000e+00  }
0x39: {  	v13 =	vadd.f32 $1.000000000e+00, v13;
	v14 =	vadd.f32 $1.000000000e+00, v14;
	v7 =	vld.idx.msk [tilespmem:v7+s6+$0x0], $0xffff;
	v22 =	vmul.f32 $6.000000000e+00, v17  }
0x3a: {  	v16 =	vadd.f32 $1.000000000e+00, v16;
	(erf) = vrcp.f32 v12;
	v6 =	vmin.f32 v6, $1.000000000e+00  }
0x3b: {  	v19 =	vmul.f32 $5.000000000e-01, v13;
	v21 =	vmul.f32 v6, v6;
	v22 =	vadd.f32 $-1.500000000e+01, v22  }
0x3c: {  	v15 =	vmul.f32 $5.000000000e-01, v10;
	v10 =	vshra.s32 v13, $0x1;
	v11 =	vmul.f32 $5.000000000e-01, v11  }
0x3d: {  	v18 =	vsub.s32 $0x5F3759DF, v10;
	v10 =	vshra.s32 v14, $0x1;
	v14 =	vmul.f32 $5.000000000e-01, v14  }
0x3e: {  	v8 =	vmul.f32 v7, v11;
	v11 =	vshra.s32 v16, $0x1;
	v16 =	vmul.f32 $5.000000000e-01, v16  }
0x3f: {  	s24 =	simm.s32 $0x7;
	v13 =	vmul.f32 $6.000000000e+00, v6;
	v7 =	vsub.s32 $0x5F3759DF, v10;
	v10 =	vld.idx.msk [tilespmem:v5+s16+$0x0], $0xffff;
	v11 =	vsub.s32 $0x5F3759DF, v11  }
0x40: {  	v27 =	vadd.s32 s24, v0;
	v5 =	vmul.f32 v7, v14;
	v20 =	vmul.f32 v11, v16  }
0x41: {  	v21 =	vmul.f32 v21, v6;
	v22 =	vmul.f32 v22, v17;
	v13 =	vadd.f32 $-1.500000000e+01, v13  }
0x42: {  	v25 =	vmul.f32 v7, v5;
	v24 =	vmul.f32 v11, v20  }
0x43: {  	v29 =	vld.idx.msk [tilespmem:v26+s14+$0x0], $0xffff;
	v23 =	vmul.f32 v18, v19;
	v13 =	vmul.f32 v13, v6  }
0x44: {  	s4 =	simm.s32 $0x5;
	v5 =	vld.idx.msk [tilespmem:v9+s15+$0x0], $0xffff;
	v6 =	vsub.f32 $1.500000000e+00, v24;
	v24 =	vsub.f32 $1.500000000e+00, v25;
	v25 =	vmul.f32 $2.000000030e-01, v12  }
0x45: {  	v33 =	vld.idx.msk [tilespmem:v27+s16+$0x0], $0xffff;
	v23 =	vmul.f32 v18, v23;
	v20 =	vadd.s32 s4, v0;
	v13 =	vadd.f32 $1.000000000e+01, v13  }
0x46: {  	v9 =	vld.idx.msk [tilespmem:v9+s16+$0x0], $0xffff;
	v12 =	vmul.f32 v11, v6;
	v30 =	vmul.f32 v7, v24;
	v11 =	vmin.f32 v25, $1.000000000e+00  }
0x47: {  	s25 =	simm.s32 $0x6;
	v23 =	vsub.f32 $1.500000000e+00, v23;
	v28 =	vld.idx.msk [tilespmem:v10+s6+$0x0], $0xffff;
	v25 =	vmul.f32 v17, v17;
	v24 =	vmul.f32 $6.000000000e+00, v11  }
0x48: {  	v10 =	vadd.s32 s25, v0;
	v7 =	vld.idx.msk [tilespmem:v27+s15+$0x0], $0xffff;
	v31 =	vmul.f32 v11, v11;
	v16 =	vmul.f32 v12, v16  }
0x49: {  	v27 =	vld.idx.msk [tilespmem:v27+s14+$0x0], $0xffff;
	v32 =	vmul.f32 v30, v14;
	v14 =	vmul.f32 v13, v21  }
0x4a: {  	v6 =	vld.idx.msk [tilespmem:v20+s15+$0x0], $0xffff;
	v39 =	vmul.f32 v25, v17;
	v25 =	vmul.f32 v18, v23;
	v24 =	vadd.f32 $-1.500000000e+01, v24  }
0x4b: {  	v13 =	vmul.f32 v31, v11;
	v16 =	vmul.f32 v16, v12  }
0x4c: {  	v21 =	vld.idx.msk [tilespmem:v5+s6+$0x0], $0xffff;
	v32 =	vmul.f32 v32, v30;
	v24 =	vmul.f32 v24, v11  }
0x4d: {  	v31 =	vsub.f32 $1.500000000e+00, v16;
	v16 =	vmul.f32 v28, v15;
	v15 =	vld.idx.msk [tilespmem:v10+s14+$0x0], $0xffff;
	v28 =	vmul.f32 $2.000000030e-01, v29  }
0x4e: {  	v11 =	vpop (erf);
	(erf) = vrcp.f32 v29;
	v44 =	vmul.f32 $2.000000030e-01, v27;
	v34 =	vadd.f32 $1.000000000e+01, v24  }
0x4f: {  	v9 =	vld.idx.msk [tilespmem:v9+s6+$0x0], $0xffff;
	v43 =	vpop (erf);
	v35 =	vmul.f32 v31, v12;
	v12 =	vmul.f32 v29, v29;
	v38 =	vmin.f32 v28, $1.000000000e+00  }
0x50: {  	v22 =	vadd.f32 $1.000000000e+01, v22;
	v24 =	vpop (erf);
	v41 =	vmul.f32 v38, v38;
	v42 =	vmul.f32 v34, v13  }
0x51: {  	v28 =	vld.idx.msk [tilespmem:v20+s14+$0x0], $0xffff;
	v34 =	vmul.f32 v25, v19;
	v56 =	vmul.f32 $6.000000000e+00, v38;
	v36 =	vsub.f32 v24, v35  }
0x52: {  	v31 =	vld.idx.msk [tilespmem:v6+s6+$0x0], $0xffff;
	v37 =	vadd.f32 $1.000000000e+00, v12;
	v12 =	vmul.f32 $5.000000000e-01, v21;
	(erf) = vrcp.f32 v15  }
0x53: {  	v21 =	vld.idx.msk [tilespmem:v7+s6+$0x0], $0xffff;
	v24 =	vmul.f32 v15, v15;
	v15 =	vmul.f32 $2.000000030e-01, v15;
	v59 =	vadd.f32 $-1.500000000e+01, v56  }
0x54: {  	v45 =	vld.idx.msk [tilespmem:v26+s16+$0x0], $0xffff;
	v17 =	vshra.s32 v37, $0x1;
	(erf) = vrcp.f32 v27;
	v12 =	vmul.f32 v9, v12  }
0x55: {  	v9 =	vld.idx.msk [tilespmem:v26+s15+$0x0], $0xffff;
	v26 =	vmul.f32 v22, v39;
	v22 =	vsub.f32 $1.500000000e+00, v32;
	v40 =	vadd.f32 $1.000000000e+00, v24  }
0x56: {  	v29 =	vsub.s32 $0x5F3759DF, v17;
	v17 =	vmul.f32 v27, v27;
	v23 =	vmul.f32 v28, v28  }
0x57: {  	v33 =	vld.idx.msk [tilespmem:v33+s6+$0x0], $0xffff;
	v27 =	vmul.f32 $5.000000000e-01, v37;
	v24 =	vmul.f32 $5.000000000e-01, v31;
	v13 =	vshra.s32 v40, $0x1  }
0x58: {  	v21 =	vmul.f32 $5.000000000e-01, v21;
	v17 =	vadd.f32 $1.000000000e+00, v17;
	v19 =	vadd.f32 $1.000000000e+00, v23  }
0x59: {  	v23 =	vmin.f32 v15, $1.000000000e+00;
	v15 =	vmul.f32 v36, v42;
	v60 =	vmul.f32 v29, v27  }
0x5a: {  	v42 =	vmul.f32 v59, v38;
	v36 =	vmul.f32 v22, v30;
	v18 =	vsub.s32 $0x5F3759DF, v13  }
0x5b: {  	v48 =	vmul.f32 $6.000000000e+00, v23;
	v32 =	vmul.f32 v23, v23;
	v31 =	vshra.s32 v17, $0x1  }
0x5c: {  	v13 =	vmul.f32 v33, v21;
	v21 =	vmin.f32 v44, $1.000000000e+00;
	v57 =	vshra.s32 v19, $0x1  }
0x5d: {  	v62 =	vmul.f32 v29, v60;
	v47 =	vsub.s32 $0x5F3759DF, v31;
	v31 =	vmul.f32 $5.000000000e-01, v17  }
0x5e: {  	v44 =	vadd.f32 $1.000000000e+01, v42;
	v17 =	vmul.f32 $5.000000000e-01, v40;
	v40 =	vmul.f32 v41, v38  }
0x5f: {  	v42 =	vadd.f32 v15, v35;
	v58 =	vmul.f32 $6.000000000e+00, v21;
	v55 =	vmul.f32 v47, v31;
	v61 =	vld.idx.msk [tilespmem:v9+s6+$0x0], $0xffff  }
0x60: {  	v46 =	vmul.f32 v21, v21;
	v38 =	vmul.f32 $5.000000000e-01, v19;
	v19 =	vadd.f32 $-1.500000000e+01, v48  }
0x61: {  	v35 =	vld.idx.msk [tilespmem:v45+s6+$0x0], $0xffff;
	v45 =	vsub.f32 v43, v36;
	v41 =	vadd.f32 $-1.500000000e+01, v58;
	v63 =	vmul.f32 v47, v55  }
0x62: {  	v43 =	vld.idx.msk [tilespmem:v20+s16+$0x0], $0xffff;
	v39 =	vsub.s32 $0x5F3759DF, v57;
	v37 =	vmul.f32 v46, v21;
	v19 =	vmul.f32 v19, v23  }
0x63: {  	v49 =	vmul.f32 v39, v38;
	v41 =	vmul.f32 v41, v21;
	v21 =	vpop (erf);
	v50 =	vsub.f32 $1.500000000e+00, v63  }
0x64: {  	v33 =	vmul.f32 v18, v17;
	v19 =	vadd.f32 $1.000000000e+01, v19;
	v22 =	vpop (erf);
	v30 =	vmul.f32 $5.000000000e-01, v61  }
0x65: {  	s2 =	simm.s32 $0x4;
	s4 =	simm.s32 $0x8;
	v46 =	vmul.f32 v39, v49;
	v15 =	vpop (erf);
	v20 =	vmul.f32 v47, v50;
	v47 =	vsub.f32 $1.500000000e+00, v62  }
.LBB2_5:
0x66: {  	s1 =	sadd.s32 $0x1, s4;
	s24 =	sadd.s32 $0x2, s4;
	s25 =	sadd.s32 $0x3, s4;
	v48 =	vadd.s32 s2, v0;
	v49 =	vmul.f32 $2.000000030e-01, v28;
	v35 =	vmul.f32 v35, v30  }
0x67: {  	p0 =	slt.u32 s4, $0x78;
	v40 =	vmul.f32 v44, v40;
	s2 =	smov.u32 s4;
	s4 =	sadd.s32 $0x4, s4;
	v30 =	vadd.s32 s1, v0;
	v50 =	vadd.s32 s24, v0;
	v51 =	vld.idx.msk [tilespmem:v10+s15+$0x0], $0xffff  }
0x68: {  	v44 =	vadd.s32 s25, v0;
	v46 =	vsub.f32 $1.500000000e+00, v46;
	v29 =	vmul.f32 v29, v47  }
0x69: {  	v47 =	vmin.f32 v49, $1.000000000e+00;
	v49 =	vld.idx.msk [tilespmem:v10+s16+$0x0], $0xffff;
	(erf) = vrcp.f32 v28;
	v28 =	vmul.f32 v34, v25;
	v10 =	vmovc v50  }
0x6a: {  	v39 =	vmul.f32 v39, v46;
	v34 =	vld.idx.msk [tilespmem:v43+s6+$0x0], $0xffff;
	v43 =	vmul.f32 v45, v14  }
0x6b: {  	v41 =	vadd.f32 $1.000000000e+01, v41;
	v42 =	vmul.f32 v42, v16;
	v14 =	vmul.f32 $6.000000000e+00, v47;
	v45 =	vld.idx.msk [tilespmem:v48+s14+$0x0], $0xffff  }
0x6c: {  	v31 =	vmul.f32 v20, v31;
	v16 =	vmul.f32 v39, v38;
	v28 =	vsub.f32 $1.500000000e+00, v28;
	v46 =	vld.idx.msk [tilespmem:v30+s15+$0x0], $0xffff  }
0x6d: {  	v50 =	vmul.f32 v47, v47;
	v52 =	vadd.f32 $-1.500000000e+01, v14;
	v14 =	vmul.f32 v41, v37;
	v38 =	vld.idx.msk [tilespmem:v44+s16+$0x0], $0xffff  }
0x6e: {  	v16 =	vmul.f32 v16, v39;
	v41 =	vmul.f32 v28, v25;
	v37 =	vld.idx.msk [tilespmem:v44+s15+$0x0], $0xffff  }
0x6f: {  	v50 =	vmul.f32 v50, v47;
	v36 =	vadd.f32 v43, v36;
	v25 =	vmul.f32 v52, v47;
	v28 =	vld.idx.msk [tilespmem:v51+s6+$0x0], $0xffff  }
0x70: {  	v43 =	vsub.f32 $1.500000000e+00, v16;
	v16 =	vmul.f32 v34, v24;
	v24 =	vmul.f32 v29, v27;
	[tilespmem:v4+s22+$0x0] =	vst.idx.add.f32.msk $0xffff, v42  }
0x71: {  	v27 =	vadd.f32 $1.000000000e+01, v25;
	v25 =	vmul.f32 v18, v33;
	v4 =	vmovc v6;
	v34 =	vld.idx.msk [tilespmem:v10+s14+$0x0], $0xffff;
	(erf) = vrcp.f32 v45;
	v6 =	vmovc v46  }
0x72: {  	v42 =	vmul.f32 v43, v39;
	v24 =	vmul.f32 v24, v29;
	v43 =	vsub.f32 v11, v41;
	v33 =	vld.idx.msk [tilespmem:v49+s6+$0x0], $0xffff;
	v39 =	vpop (erf)  }
0x73: {  	v47 =	vmul.f32 v45, v45;
	v11 =	vmovc v22;
	v25 =	vsub.f32 $1.500000000e+00, v25;
	v49 =	vmul.f32 v31, v20;
	v44 =	vld.idx.msk [tilespmem:v44+s14+$0x0], $0xffff  }
0x74: {  	v31 =	vmul.f32 $2.000000030e-01, v45;
	v39 =	vsub.f32 v39, v42;
	v24 =	vsub.f32 $1.500000000e+00, v24;
	v22 =	vld.idx.msk [tilespmem:v46+s6+$0x0], $0xffff  }
0x75: {  	v45 =	vadd.f32 $1.000000000e+00, v47;
	v46 =	vmul.f32 $5.000000000e-01, v28;
	v28 =	vmul.f32 v36, v8;
	v8 =	vmovc v13;
	v38 =	vld.idx.msk [tilespmem:v38+s6+$0x0], $0xffff  }
0x76: {  	v32 =	vmul.f32 v32, v23;
	v36 =	vmin.f32 v31, $1.000000000e+00;
	v23 =	vmul.f32 v24, v29;
	v13 =	vld.idx.msk [tilespmem:v37+s6+$0x0], $0xffff  }
0x77: {  	v26 =	vmul.f32 v43, v26;
	v24 =	vshra.s32 v45, $0x1;
	(erf) = vrcp.f32 v34;
	[tilespmem:v3+s22+$0x0] =	vst.idx.add.f32.msk $0xffff, v28;
	v3 =	vmovc v7  }
0x78: {  	v31 =	vmul.f32 v34, v34;
	v29 =	vsub.s32 $0x5F3759DF, v24;
	v24 =	vsub.f32 v21, v23;
	v7 =	vmovc v37;
	v28 =	vld.idx.msk [tilespmem:v30+s14+$0x0], $0xffff  }
0x79: {  	v25 =	vmul.f32 v18, v25;
	v18 =	vadd.f32 v26, v41;
	(erf) = vrcp.f32 v44;
	v37 =	vld.idx.msk [tilespmem:v48+s15+$0x0], $0xffff  }
0x7a: {  	v41 =	vmul.f32 v36, v36;
	v26 =	vadd.f32 $1.000000000e+00, v31;
	v31 =	vmul.f32 v24, v40;
	v21 =	vpop (erf)  }
0x7b: {  	v24 =	vmul.f32 $5.000000000e-01, v22;
	v40 =	vmul.f32 v27, v50  }
0x7c: {  	v18 =	vmul.f32 v18, v12;
	v22 =	vmul.f32 v44, v44;
	v23 =	vadd.f32 v31, v23  }
0x7d: {  	v12 =	vmul.f32 v33, v46;
	v31 =	vshra.s32 v26, $0x1;
	v13 =	vmul.f32 $5.000000000e-01, v13;
	v43 =	vld.idx.msk [tilespmem:v48+s16+$0x0], $0xffff  }
0x7e: {  	v33 =	vmul.f32 $2.000000030e-01, v44;
	v27 =	vmul.f32 $5.000000000e-01, v45;
	v44 =	vadd.f32 $1.000000000e+00, v22;
	[tilespmem:v5+s22+$0x0] =	vst.idx.add.f32.msk $0xffff, v18;
	v5 =	vmovc v51  }
0x7f: {  	v45 =	vmul.f32 $2.000000030e-01, v34;
	v23 =	vmul.f32 v23, v35;
	v18 =	vsub.s32 $0x5F3759DF, v31  }
0x80: {  	v35 =	vmul.f32 v28, v28;
	v13 =	vmul.f32 v38, v13;
	v31 =	vshra.s32 v44, $0x1;
	v22 =	vpop (erf)  }
0x81: {  	v34 =	vmul.f32 v25, v17;
	v47 =	vsub.s32 $0x5F3759DF, v31;
	v31 =	vmul.f32 $5.000000000e-01, v44;
	[tilespmem:v9+s22+$0x0] =	vst.idx.add.f32.msk $0xffff, v23;
	v9 =	vmovc v37  }
0x82: {  	v38 =	vadd.f32 $1.000000000e+00, v35;
	v23 =	vmin.f32 v45, $1.000000000e+00;
	v45 =	vmul.f32 v39, v40;
	v46 =	vpop (erf)  }
0x83: {  	v44 =	vmin.f32 v33, $1.000000000e+00;
	v33 =	vmul.f32 $6.000000000e+00, v36;
	v48 =	vmul.f32 v47, v31;
	v50 =	vld.idx.msk [tilespmem:v37+s6+$0x0], $0xffff  }
0x84: {  	v17 =	vmul.f32 $5.000000000e-01, v26;
	v40 =	vmul.f32 v41, v36;
	v37 =	vshra.s32 v38, $0x1  }
0x85: {  	v51 =	vmul.f32 v29, v27;
	v41 =	vmul.f32 $6.000000000e+00, v44;
	v35 =	vld.idx.msk [tilespmem:v43+s6+$0x0], $0xffff;
	v43 =	vadd.f32 $-1.500000000e+01, v33  }
0x86: {  	v26 =	vmul.f32 v19, v32;
	v19 =	vsub.f32 $1.500000000e+00, v49;
	v52 =	vmul.f32 v44, v44  }
0x87: {  	v32 =	vmul.f32 $6.000000000e+00, v23;
	v39 =	vsub.s32 $0x5F3759DF, v37;
	v33 =	vmul.f32 v18, v17  }
0x88: {  	v41 =	vadd.f32 $-1.500000000e+01, v41;
	v37 =	vmul.f32 v52, v44;
	v36 =	vmul.f32 v43, v36  }
0x89: {  	v49 =	vmul.f32 v29, v51;
	v38 =	vmul.f32 $5.000000000e-01, v38;
	v32 =	vadd.f32 $-1.500000000e+01, v32  }
.Ltmp1:
0x8a: {  	v48 =	vmul.f32 v47, v48;
	v41 =	vmul.f32 v41, v44;
	v44 =	vadd.f32 $1.000000000e+01, v36;
	(pc) =	sbr.rel @p0 .LBB2_5-.Ltmp1, $4  }
0x8b: {  	v42 =	vadd.f32 v45, v42;
	v51 =	vmul.f32 v32, v23;
	v36 =	vmul.f32 v19, v20;
	v43 =	vld.idx.msk [tilespmem:v30+s16+$0x0], $0xffff  }
0x8c: {  	v48 =	vsub.f32 $1.500000000e+00, v48;
	v20 =	vmul.f32 v39, v38;
	v30 =	vmul.f32 $5.000000000e-01, v50  }
0x8d: {  	v32 =	vmul.f32 v23, v23;
	v19 =	vadd.f32 $1.000000000e+01, v51;
	v45 =	vsub.f32 v15, v36;
	v15 =	vmovc v46  }
0x8e: {  	v46 =	vmul.f32 v39, v20;
	v20 =	vmul.f32 v47, v48;
	v47 =	vsub.f32 $1.500000000e+00, v49  }
0x8f: {  	v48 =	vadd.s32 s2, v0;
	_ =	sdelay $0x1  }
0x90: {  	v49 =	vmul.f32 $2.000000030e-01, v28  }
0x91: {  	v30 =	vmul.f32 v35, v30;
	v40 =	vmul.f32 v44, v40  }
0x92: {  	(erf) = vrcp.f32 v28;
	v34 =	vmul.f32 v34, v25  }
0x93: {  	v14 =	vmul.f32 v45, v14;
	v16 =	vmul.f32 v42, v16;
	v28 =	vld.idx.msk [tilespmem:v48+s14+$0x0], $0xffff  }
0x94: {  	v41 =	vadd.f32 $1.000000000e+01, v41;
	v33 =	vmul.f32 v18, v33;
	v23 =	vmul.f32 v32, v23  }
0x95: {  	v63 =	vsub.f32 $1.500000000e+00, v46;
	v29 =	vmul.f32 v29, v47;
	v31 =	vmul.f32 v20, v31  }
0x96: {  	v49 =	vmin.f32 v49, $1.000000000e+00;
	v37 =	vmul.f32 v41, v37;
	v19 =	vmul.f32 v19, v23  }
0x97: {  	v34 =	vsub.f32 $1.500000000e+00, v34;
	v39 =	vmul.f32 v39, v63;
	v50 =	vmul.f32 $6.000000000e+00, v49  }
0x98: {  	v43 =	vld.idx.msk [tilespmem:v43+s6+$0x0], $0xffff;
	v14 =	vadd.f32 v14, v36;
	v51 =	vmul.f32 v49, v49;
	v52 =	vmul.f32 v28, v28  }
0x99: {  	v33 =	vsub.f32 $1.500000000e+00, v33;
	v27 =	vmul.f32 v29, v27;
	v31 =	vmul.f32 v31, v20  }
0x9a: {  	v35 =	vld.idx.msk [tilespmem:v10+s15+$0x0], $0xffff;
	v25 =	vmul.f32 v34, v25;
	v38 =	vmul.f32 v39, v38;
	v41 =	vadd.f32 $1.000000000e+00, v52  }
0x9b: {  	v8 =	vmul.f32 v14, v8;
	v18 =	vmul.f32 v18, v33  }
0x9c: {  	v38 =	vmul.f32 v38, v39;
	v56 =	vshra.s32 v41, $0x1;
	v41 =	vmul.f32 $5.000000000e-01, v41  }
0x9d: {  	v53 =	vmul.f32 v51, v49;
	v24 =	vmul.f32 v43, v24;
	v43 =	vsub.s32 $0x5F3759DF, v56  }
0x9e: {  	v27 =	vmul.f32 v27, v29;
	v38 =	vsub.f32 $1.500000000e+00, v38;
	v58 =	vmul.f32 v43, v41  }
0x9f: {  	v44 =	vadd.f32 $-1.500000000e+01, v50;
	(erf) = vrcp.f32 v28;
	v28 =	vmul.f32 $2.000000030e-01, v28  }
0xa0: {  	v10 =	vld.idx.msk [tilespmem:v10+s16+$0x0], $0xffff;
	v27 =	vsub.f32 $1.500000000e+00, v27;
	v57 =	vmul.f32 v38, v39;
	v38 =	vmul.f32 v43, v58  }
0xa1: {  	v31 =	vsub.f32 $1.500000000e+00, v31;
	v11 =	vsub.f32 v11, v25;
	v17 =	vmul.f32 v18, v17  }
0xa2: {  	v55 =	vld.idx.msk [tilespmem:v35+s6+$0x0], $0xffff;
	v14 =	vmul.f32 v27, v29;
	v27 =	vmin.f32 v28, $1.000000000e+00;
	v28 =	vsub.f32 $1.500000000e+00, v38  }
0xa3: {  	v54 =	vmul.f32 v44, v49;
	v11 =	vmul.f32 v11, v26;
	v26 =	vld.idx.msk [tilespmem:v48+s15+$0x0], $0xffff  }
0xa4: {  	[tilespmem:v4+s22+$0x0] =	vst.idx.add.f32.msk $0xffff, v16;
	v16 =	vmul.f32 v31, v20;
	v28 =	vmul.f32 v43, v28  }
0xa5: {  	v62 =	vld.idx.msk [tilespmem:v48+s16+$0x0], $0xffff;
	v17 =	vmul.f32 v17, v18;
	v60 =	vadd.f32 $1.000000000e+01, v54;
	v11 =	vadd.f32 v11, v25  }
0xa6: {  	v63 =	vmul.f32 $6.000000000e+00, v27;
	v41 =	vmul.f32 v28, v41  }
0xa7: {  	v21 =	vsub.f32 v21, v14;
	v25 =	vmul.f32 v60, v53;
	v11 =	vmul.f32 v11, v12  }
0xa8: {  	v10 =	vld.idx.msk [tilespmem:v10+s6+$0x0], $0xffff;
	v59 =	vmul.f32 $5.000000000e-01, v55;
	v44 =	vadd.f32 $-1.500000000e+01, v63;
	v45 =	vmul.f32 v41, v28  }
0xa9: {  	v61 =	vpop (erf);
	v12 =	vsub.f32 $1.500000000e+00, v17;
	v29 =	vmul.f32 v27, v27;
	v21 =	vmul.f32 v21, v40  }
0xaa: {  	v33 =	vsub.f32 v61, v57;
	v4 =	vmul.f32 v44, v27;
	v17 =	vsub.f32 $1.500000000e+00, v45  }
0xab: {  	v12 =	vmul.f32 v12, v18;
	v14 =	vadd.f32 v21, v14;
	v21 =	vmul.f32 v29, v27;
	v20 =	vld.idx.msk [tilespmem:v26+s6+$0x0], $0xffff  }
0xac: {  	[tilespmem:v3+s22+$0x0] =	vst.idx.add.f32.msk $0xffff, v8;
	v3 =	vadd.f32 $1.000000000e+01, v4;
	v4 =	vsub.f32 v15, v16;
	v8 =	vmul.f32 v17, v28  }
0xad: {  	v18 =	vld.idx.msk [tilespmem:v62+s6+$0x0], $0xffff;
	v10 =	vmul.f32 v10, v59;
	v22 =	vsub.f32 v22, v12;
	v15 =	vpop (erf);
	v17 =	vmul.f32 v33, v25  }
0xae: {  	v3 =	vmul.f32 v3, v21;
	v4 =	vmul.f32 v4, v37;
	v15 =	vsub.f32 v15, v8  }
0xaf: {  	v14 =	vmul.f32 v14, v30;
	v19 =	vmul.f32 v22, v19;
	v17 =	vadd.f32 v17, v57  }
0xb0: {  	[tilespmem:v5+s22+$0x0] =	vst.idx.add.f32.msk $0xffff, v11;
	v5 =	vmul.f32 $5.000000000e-01, v20;
	v4 =	vadd.f32 v4, v16;
	v3 =	vmul.f32 v15, v3  }
0xb1: {  	[tilespmem:v9+s22+$0x0] =	vst.idx.add.f32.msk $0xffff, v14;
	v11 =	vadd.f32 v19, v12;
	v9 =	vmul.f32 v17, v24  }
0xb2: {  	v5 =	vmul.f32 v18, v5;
	v4 =	vmul.f32 v4, v13;
	v3 =	vadd.f32 v3, v8  }
0xb3: {  	[tilespmem:v6+s22+$0x0] =	vst.idx.add.f32.msk $0xffff, v9;
	v6 =	vmul.f32 v11, v10  }
0xb4: {  	[tilespmem:v7+s22+$0x0] =	vst.idx.add.f32.msk $0xffff, v4;
	v3 =	vmul.f32 v3, v5  }
0xb5: {  	[tilespmem:v35+s22+$0x0] =	vst.idx.add.f32.msk $0xffff, v6  }
0xb6: {  	[tilespmem:v26+s22+$0x0] =	vst.idx.add.f32.msk $0xffff, v3  }
0xb7: {  	v3 =	vld.idx.msk [tilespmem:v2+s14+$0x0], $0xffff;
	_ =	sdelay $0x4  }
0xb8: {  	v4 =	vmul.f32 v3, v3;
	_ =	sdelay $0x1  }
0xb9: {  	v4 =	vadd.f32 $1.000000000e+00, v4;
	_ =	sdelay $0x1  }
0xba: {  	v5 =	vshra.s32 v4, $0x1;
	v4 =	vmul.f32 $5.000000000e-01, v4  }
0xbb: {  	v5 =	vsub.s32 $0x5F3759DF, v5  }
0xbc: {  	v6 =	vmul.f32 v5, v4;
	_ =	sdelay $0x1  }
0xbd: {  	v6 =	vmul.f32 v5, v6;
	_ =	sdelay $0x1  }
0xbe: {  	v6 =	vsub.f32 $1.500000000e+00, v6  }
0xbf: {  	v7 =	vld.idx.msk [tilespmem:v2+s15+$0x0], $0xffff;
	v8 =	vmul.f32 $2.000000030e-01, v3  }
0xc0: {  	(erf) = vrcp.f32 v3;
	v3 =	vmul.f32 v5, v6  }
0xc1: {  	v5 =	vld.idx.msk [tilespmem:v2+s16+$0x0], $0xffff;
	v6 =	vmin.f32 v8, $1.000000000e+00  }
0xc2: {  	v8 =	vmul.f32 $6.000000000e+00, v6;
	v4 =	vmul.f32 v3, v4;
	_ =	sdelay $0x1  }
0xc3: {  	v8 =	vadd.f32 $-1.500000000e+01, v8;
	v4 =	vmul.f32 v4, v3;
	_ =	sdelay $0x1  }
0xc4: {  	s2 =	simm.s32 $0x0;
	v9 =	vmul.f32 v6, v6;
	v8 =	vmul.f32 v8, v6;
	v4 =	vsub.f32 $1.500000000e+00, v4  }
0xc5: {  	v10 =	vld.idx.msk [tilespmem:v7+s2+$0x0], $0xffff  }
0xc6: {  	v6 =	vmul.f32 v9, v6;
	v8 =	vadd.f32 $1.000000000e+01, v8;
	v3 =	vmul.f32 v4, v3  }
0xc7: {  	v4 =	vld.idx.msk [tilespmem:v5+s2+$0x0], $0xffff;
	v5 =	vpop (erf)  }
0xc8: {  	v6 =	vmul.f32 v8, v6;
	v5 =	vsub.f32 v5, v3;
	_ =	sdelay $0x1  }
0xc9: {  	v8 =	vmul.f32 $5.000000000e-01, v10;
	v5 =	vmul.f32 v5, v6;
	_ =	sdelay $0x1  }
0xca: {  	v4 =	vmul.f32 v4, v8;
	v3 =	vadd.f32 v5, v3;
	_ =	sdelay $0x1  }
0xcb: {  	v3 =	vmul.f32 v3, v4;
	_ =	sdelay $0x1  }
0xcc: {  	[tilespmem:v7+s22+$0x0] =	vst.idx.add.f32.msk $0xffff, v3  }
0xcd: {  	_ =	swait.ge [sflag:s23], $0x7D0  }
0xce: {  	[sflag:s23] =	ssyncset.done $0x0  }
0xcf: {  	[sflag:s23] =	ssyncadd.s32 $0xFFFFF830  }
0xd0: {  	_ =	swait.ge [sflag:s23], $0x7D0  }
0xd1: {  	[sflag:s23] =	ssyncset.done $0x0  }
0xd2: {  	[sflag:s23] =	ssyncadd.s32 $0xFFFFF830  }
0xd3: {  	s1 =	sadd.s32 s31, s11;
	_ =	swait.ge [sflag:s23], $0x7D0  }
0xd4: {  	s31 =	simm.s32 $0x1;
	s1 =	sshrl.u32 s1, $0x3;
	[sflag:s23] =	ssyncset.done $0x0  }
0xd5: {  	s25 =	simm.s32 $0x3;
	s4 =	sadd.s32 s0, s1;
	[sflag:s23] =	ssyncadd.s32 $0xFFFFF830  }
0xd6: {  	v5 =	vadd.s32 s31, v0;
	[tilespmem:s14], [sflag:$0x1] =	stream.linear.gather [hbm4b:s4+s2], $0x7D0, $0x38;
	[tilespmem:$0x1B700] =	vst v63  }
0xd7: {  	s24 =	sadd.s32 s3, s1;
	v6 =	vadd.s32 s25, v0  }
0xd8: {  	[tilespmem:s15], [sflag:$0x1] =	stream.linear.gather [hbm4b:s24+s2], $0x7D0, $0x38;
	[tilespmem:$0x1B700] =	vst v63  }
0xd9: {  	s1 =	sadd.s32 s5, s1;
	s4 =	simm.s32 $0x2  }
0xda: {  	[tilespmem:s16], [sflag:$0x1] =	stream.linear.gather [hbm4b:s1+s2], $0x7D0, $0x38;
	[tilespmem:$0x1B700] =	vst v63  }
0xdb: {  	v9 =	vadd.s32 s4, v0;
	v4 =	vld.idx.msk [tilespmem:v5+s20+$0x0], $0xffff  }
0xdc: {  	v3 =	vld.idx.msk [tilespmem:v6+s20+$0x0], $0xffff  }
0xdd: {  	v7 =	vld.idx.msk [tilespmem:v6+s21+$0x0], $0xffff  }
0xde: {  	v6 =	vld.idx.msk [tilespmem:v6+s19+$0x0], $0xffff  }
0xdf: {  	v12 =	vld.idx.msk [tilespmem:v5+s19+$0x0], $0xffff  }
0xe0: {  	v8 =	vld.idx.msk [tilespmem:v9+s19+$0x0], $0xffff;
	_ =	sdelay $0x3  }
0xe1: {  	v14 =	vmul.f32 v6, v6;
	v10 =	vld.idx.msk [tilespmem:v4+s6+$0x0], $0xffff  }
0xe2: {  	v16 =	vmul.f32 v12, v12;
	v13 =	vmul.f32 v8, v8;
	v11 =	vld.idx.msk [tilespmem:v3+s6+$0x0], $0xffff  }
0xe3: {  	v26 =	vadd.s32 s2, v0;
	s25 =	simm.s32 $0x7;
	(erf) = vrcp.f32 v8;
	v17 =	vmul.f32 $2.000000030e-01, v8  }
0xe4: {  	v27 =	vadd.s32 s25, v0;
	(erf) = vrcp.f32 v6;
	v6 =	vmul.f32 $2.000000030e-01, v6;
	v7 =	vld.idx.msk [tilespmem:v7+s6+$0x0], $0xffff  }
0xe5: {  	v14 =	vadd.f32 $1.000000000e+00, v14;
	v13 =	vadd.f32 $1.000000000e+00, v13;
	v17 =	vmin.f32 v17, $1.000000000e+00  }
0xe6: {  	v16 =	vadd.f32 $1.000000000e+00, v16;
	v6 =	vmin.f32 v6, $1.000000000e+00;
	v22 =	vmul.f32 $6.000000000e+00, v17  }
0xe7: {  	v15 =	vmul.f32 $5.000000000e-01, v10;
	v10 =	vshra.s32 v13, $0x1;
	v11 =	vmul.f32 $5.000000000e-01, v11  }
0xe8: {  	v19 =	vmul.f32 $5.000000000e-01, v13;
	v21 =	vmul.f32 v6, v6;
	v18 =	vsub.s32 $0x5F3759DF, v10  }
0xe9: {  	v8 =	vmul.f32 v7, v11;
	v11 =	vshra.s32 v16, $0x1;
	v16 =	vmul.f32 $5.000000000e-01, v16  }
0xea: {  	v10 =	vshra.s32 v14, $0x1;
	v14 =	vmul.f32 $5.000000000e-01, v14;
	v11 =	vsub.s32 $0x5F3759DF, v11  }
0xeb: {  	v13 =	vmul.f32 $6.000000000e+00, v6;
	v7 =	vsub.s32 $0x5F3759DF, v10;
	v10 =	vld.idx.msk [tilespmem:v5+s21+$0x0], $0xffff;
	v20 =	vmul.f32 v11, v16  }
0xec: {  	(erf) = vrcp.f32 v12;
	v22 =	vadd.f32 $-1.500000000e+01, v22;
	v5 =	vmul.f32 v7, v14  }
0xed: {  	v21 =	vmul.f32 v21, v6;
	v13 =	vadd.f32 $-1.500000000e+01, v13;
	v24 =	vmul.f32 v11, v20  }
0xee: {  	v23 =	vmul.f32 v18, v19;
	v25 =	vmul.f32 v7, v5  }
0xef: {  	v29 =	vld.idx.msk [tilespmem:v26+s19+$0x0], $0xffff;
	v22 =	vmul.f32 v22, v17;
	v13 =	vmul.f32 v13, v6;
	v6 =	vsub.f32 $1.500000000e+00, v24  }
0xf0: {  	s24 =	simm.s32 $0x5;
	v23 =	vmul.f32 v18, v23;
	v5 =	vld.idx.msk [tilespmem:v9+s20+$0x0], $0xffff;
	v24 =	vsub.f32 $1.500000000e+00, v25;
	v25 =	vmul.f32 $2.000000030e-01, v12  }
0xf1: {  	v47 =	vld.idx.msk [tilespmem:v27+s21+$0x0], $0xffff;
	v20 =	vadd.s32 s24, v0;
	v13 =	vadd.f32 $1.000000000e+01, v13;
	v12 =	vmul.f32 v11, v6  }
0xf2: {  	v9 =	vld.idx.msk [tilespmem:v9+s21+$0x0], $0xffff;
	v30 =	vmul.f32 v7, v24;
	v11 =	vmin.f32 v25, $1.000000000e+00;
	v25 =	vmul.f32 v17, v17  }
0xf3: {  	s31 =	simm.s32 $0x6;
	v23 =	vsub.f32 $1.500000000e+00, v23;
	v28 =	vld.idx.msk [tilespmem:v10+s6+$0x0], $0xffff;
	v24 =	vmul.f32 $6.000000000e+00, v11;
	v31 =	vmul.f32 v11, v11  }
0xf4: {  	v10 =	vadd.s32 s31, v0;
	v7 =	vld.idx.msk [tilespmem:v27+s20+$0x0], $0xffff;
	v16 =	vmul.f32 v12, v16;
	v46 =	vmul.f32 v30, v14  }
0xf5: {  	v27 =	vld.idx.msk [tilespmem:v27+s19+$0x0], $0xffff;
	v14 =	vmul.f32 v13, v21;
	v51 =	vmul.f32 v25, v17  }
0xf6: {  	v25 =	vmul.f32 v18, v23;
	v24 =	vadd.f32 $-1.500000000e+01, v24;
	v13 =	vmul.f32 v31, v11  }
0xf7: {  	v6 =	vld.idx.msk [tilespmem:v20+s20+$0x0], $0xffff;
	v16 =	vmul.f32 v16, v12;
	v32 =	vmul.f32 v46, v30  }
0xf8: {  	v21 =	vld.idx.msk [tilespmem:v5+s6+$0x0], $0xffff;
	v34 =	vmul.f32 v25, v19;
	v24 =	vmul.f32 v24, v11  }
0xf9: {  	v31 =	vsub.f32 $1.500000000e+00, v16;
	v16 =	vmul.f32 v28, v15;
	v15 =	vld.idx.msk [tilespmem:v10+s19+$0x0], $0xffff;
	v28 =	vmul.f32 $2.000000030e-01, v29  }
0xfa: {  	v11 =	vpop (erf);
	(erf) = vrcp.f32 v29;
	v62 =	vmul.f32 $2.000000030e-01, v27;
	v48 =	vadd.f32 $1.000000000e+01, v24  }
0xfb: {  	v9 =	vld.idx.msk [tilespmem:v9+s6+$0x0], $0xffff;
	v35 =	vmul.f32 v31, v12;
	v12 =	vmul.f32 v29, v29;
	v38 =	vmin.f32 v28, $1.000000000e+00  }
0xfc: {  	v22 =	vadd.f32 $1.000000000e+01, v22;
	v43 =	vpop (erf);
	v60 =	vmul.f32 v38, v38;
	v61 =	vmul.f32 v48, v13  }
0xfd: {  	v54 =	vld.idx.msk [tilespmem:v26+s21+$0x0], $0xffff;
	v24 =	vpop (erf);
	v52 =	vmul.f32 $6.000000000e+00, v38;
	v50 =	vadd.f32 $1.000000000e+00, v12;
	v12 =	vmul.f32 $5.000000000e-01, v21  }
0xfe: {  	v28 =	vld.idx.msk [tilespmem:v20+s19+$0x0], $0xffff;
	v49 =	vsub.f32 v24, v35;
	(erf) = vrcp.f32 v15;
	v24 =	vmul.f32 v15, v15  }
0xff: {  	v31 =	vld.idx.msk [tilespmem:v6+s6+$0x0], $0xffff;
	v15 =	vmul.f32 $2.000000030e-01, v15;
	v40 =	vmul.f32 v60, v38;
	v56 =	vadd.f32 $-1.500000000e+01, v52  }
0x100: {  	v21 =	vld.idx.msk [tilespmem:v7+s6+$0x0], $0xffff;
	v17 =	vshra.s32 v50, $0x1;
	(erf) = vrcp.f32 v27;
	v12 =	vmul.f32 v9, v12  }
0x101: {  	v9 =	vld.idx.msk [tilespmem:v26+s20+$0x0], $0xffff;
	v26 =	vmul.f32 v22, v51;
	v22 =	vsub.f32 $1.500000000e+00, v32;
	v59 =	vadd.f32 $1.000000000e+00, v24  }
0x102: {  	v29 =	vsub.s32 $0x5F3759DF, v17;
	v17 =	vmul.f32 v27, v27;
	v27 =	vmul.f32 $5.000000000e-01, v50  }
0x103: {  	v23 =	vmul.f32 v28, v28;
	v42 =	vmul.f32 v56, v38  }
0x104: {  	v33 =	vld.idx.msk [tilespmem:v47+s6+$0x0], $0xffff;
	v24 =	vmul.f32 $5.000000000e-01, v31;
	v36 =	vmul.f32 v22, v30;
	v13 =	vshra.s32 v59, $0x1  }
0x105: {  	v21 =	vmul.f32 $5.000000000e-01, v21;
	v17 =	vadd.f32 $1.000000000e+00, v17;
	v19 =	vadd.f32 $1.000000000e+00, v23  }
0x106: {  	v23 =	vmin.f32 v15, $1.000000000e+00;
	v15 =	vmul.f32 v49, v61;
	v57 =	vmul.f32 v29, v27  }
0x107: {  	v44 =	vadd.f32 $1.000000000e+01, v42;
	v18 =	vsub.s32 $0x5F3759DF, v13;
	v60 =	vmul.f32 $6.000000000e+00, v23  }
0x108: {  	v32 =	vmul.f32 v23, v23;
	v45 =	vsub.f32 v43, v36;
	v31 =	vshra.s32 v17, $0x1  }
0x109: {  	v13 =	vmul.f32 v33, v21;
	v47 =	vsub.s32 $0x5F3759DF, v31;
	v31 =	vmul.f32 $5.000000000e-01, v17  }
0x10a: {  	v21 =	vmin.f32 v62, $1.000000000e+00;
	v38 =	vmul.f32 $5.000000000e-01, v19;
	v17 =	vmul.f32 $5.000000000e-01, v59  }
0x10b: {  	v53 =	vshra.s32 v19, $0x1;
	v55 =	vmul.f32 $6.000000000e+00, v21;
	v63 =	vmul.f32 v47, v31;
	v59 =	vld.idx.msk [tilespmem:v9+s6+$0x0], $0xffff  }
0x10c: {  	v61 =	vmul.f32 v29, v57;
	v58 =	vmul.f32 v21, v21;
	v19 =	vadd.f32 $-1.500000000e+01, v60  }
0x10d: {  	v42 =	vadd.f32 v15, v35;
	v35 =	vld.idx.msk [tilespmem:v54+s6+$0x0], $0xffff;
	v41 =	vadd.f32 $-1.500000000e+01, v55;
	v62 =	vmul.f32 v47, v63  }
0x10e: {  	v43 =	vld.idx.msk [tilespmem:v20+s21+$0x0], $0xffff;
	v39 =	vsub.s32 $0x5F3759DF, v53;
	v37 =	vmul.f32 v58, v21;
	v19 =	vmul.f32 v19, v23  }
0x10f: {  	v41 =	vmul.f32 v41, v21;
	v21 =	vpop (erf);
	v63 =	vmul.f32 v39, v38;
	v50 =	vsub.f32 $1.500000000e+00, v62  }
0x110: {  	v33 =	vmul.f32 v18, v17;
	v19 =	vadd.f32 $1.000000000e+01, v19;
	v22 =	vpop (erf);
	v30 =	vmul.f32 $5.000000000e-01, v59  }
0x111: {  	s4 =	simm.s32 $0x8;
	s2 =	simm.s32 $0x4;
	v15 =	vpop (erf);
	v46 =	vmul.f32 v39, v63;
	v20 =	vmul.f32 v47, v50;
	v47 =	vsub.f32 $1.500000000e+00, v61  }
.LBB2_7:
0x112: {  	s1 =	sadd.s32 $0x1, s4;
	s24 =	sadd.s32 $0x2, s4;
	s25 =	sadd.s32 $0x3, s4;
	v48 =	vadd.s32 s2, v0;
	v49 =	vmul.f32 $2.000000030e-01, v28;
	v35 =	vmul.f32 v35, v30  }
0x113: {  	p0 =	slt.u32 s4, $0x78;
	v40 =	vmul.f32 v44, v40;
	s2 =	smov.u32 s4;
	s4 =	sadd.s32 $0x4, s4;
	v30 =	vadd.s32 s1, v0;
	v50 =	vadd.s32 s24, v0;
	v51 =	vld.idx.msk [tilespmem:v10+s20+$0x0], $0xffff  }
0x114: {  	v44 =	vadd.s32 s25, v0;
	v46 =	vsub.f32 $1.500000000e+00, v46;
	v29 =	vmul.f32 v29, v47  }
0x115: {  	v47 =	vmin.f32 v49, $1.000000000e+00;
	v49 =	vld.idx.msk [tilespmem:v10+s21+$0x0], $0xffff;
	(erf) = vrcp.f32 v28;
	v28 =	vmul.f32 v34, v25;
	v10 =	vmovc v50  }
0x116: {  	v39 =	vmul.f32 v39, v46;
	v34 =	vld.idx.msk [tilespmem:v43+s6+$0x0], $0xffff;
	v43 =	vmul.f32 v45, v14  }
0x117: {  	v41 =	vadd.f32 $1.000000000e+01, v41;
	v42 =	vmul.f32 v42, v16;
	v14 =	vmul.f32 $6.000000000e+00, v47;
	v45 =	vld.idx.msk [tilespmem:v48+s19+$0x0], $0xffff  }
0x118: {  	v31 =	vmul.f32 v20, v31;
	v16 =	vmul.f32 v39, v38;
	v28 =	vsub.f32 $1.500000000e+00, v28;
	v46 =	vld.idx.msk [tilespmem:v30+s20+$0x0], $0xffff  }
0x119: {  	v50 =	vmul.f32 v47, v47;
	v52 =	vadd.f32 $-1.500000000e+01, v14;
	v14 =	vmul.f32 v41, v37;
	v38 =	vld.idx.msk [tilespmem:v44+s21+$0x0], $0xffff  }
0x11a: {  	v16 =	vmul.f32 v16, v39;
	v41 =	vmul.f32 v28, v25;
	v37 =	vld.idx.msk [tilespmem:v44+s20+$0x0], $0xffff  }
0x11b: {  	v50 =	vmul.f32 v50, v47;
	v36 =	vadd.f32 v43, v36;
	v25 =	vmul.f32 v52, v47;
	v28 =	vld.idx.msk [tilespmem:v51+s6+$0x0], $0xffff  }
0x11c: {  	v43 =	vsub.f32 $1.500000000e+00, v16;
	v16 =	vmul.f32 v34, v24;
	v24 =	vmul.f32 v29, v27;
	[tilespmem:v4+s22+$0x0] =	vst.idx.add.f32.msk $0xffff, v42  }
0x11d: {  	v27 =	vadd.f32 $1.000000000e+01, v25;
	v25 =	vmul.f32 v18, v33;
	v4 =	vmovc v6;
	v34 =	vld.idx.msk [tilespmem:v10+s19+$0x0], $0xffff;
	(erf) = vrcp.f32 v45;
	v6 =	vmovc v46  }
0x11e: {  	v42 =	vmul.f32 v43, v39;
	v24 =	vmul.f32 v24, v29;
	v43 =	vsub.f32 v11, v41;
	v33 =	vld.idx.msk [tilespmem:v49+s6+$0x0], $0xffff;
	v39 =	vpop (erf)  }
0x11f: {  	v47 =	vmul.f32 v45, v45;
	v11 =	vmovc v22;
	v25 =	vsub.f32 $1.500000000e+00, v25;
	v49 =	vmul.f32 v31, v20;
	v44 =	vld.idx.msk [tilespmem:v44+s19+$0x0], $0xffff  }
0x120: {  	v31 =	vmul.f32 $2.000000030e-01, v45;
	v39 =	vsub.f32 v39, v42;
	v24 =	vsub.f32 $1.500000000e+00, v24;
	v22 =	vld.idx.msk [tilespmem:v46+s6+$0x0], $0xffff  }
0x121: {  	v45 =	vadd.f32 $1.000000000e+00, v47;
	v46 =	vmul.f32 $5.000000000e-01, v28;
	v28 =	vmul.f32 v36, v8;
	v8 =	vmovc v13;
	v38 =	vld.idx.msk [tilespmem:v38+s6+$0x0], $0xffff  }
0x122: {  	v32 =	vmul.f32 v32, v23;
	v36 =	vmin.f32 v31, $1.000000000e+00;
	v23 =	vmul.f32 v24, v29;
	v13 =	vld.idx.msk [tilespmem:v37+s6+$0x0], $0xffff  }
0x123: {  	v26 =	vmul.f32 v43, v26;
	v24 =	vshra.s32 v45, $0x1;
	(erf) = vrcp.f32 v34;
	[tilespmem:v3+s22+$0x0] =	vst.idx.add.f32.msk $0xffff, v28;
	v3 =	vmovc v7  }
0x124: {  	v31 =	vmul.f32 v34, v34;
	v29 =	vsub.s32 $0x5F3759DF, v24;
	v24 =	vsub.f32 v21, v23;
	v7 =	vmovc v37;
	v28 =	vld.idx.msk [tilespmem:v30+s19+$0x0], $0xffff  }
0x125: {  	v25 =	vmul.f32 v18, v25;
	v18 =	vadd.f32 v26, v41;
	(erf) = vrcp.f32 v44;
	v37 =	vld.idx.msk [tilespmem:v48+s20+$0x0], $0xffff  }
0x126: {  	v41 =	vmul.f32 v36, v36;
	v26 =	vadd.f32 $1.000000000e+00, v31;
	v31 =	vmul.f32 v24, v40;
	v21 =	vpop (erf)  }
0x127: {  	v24 =	vmul.f32 $5.000000000e-01, v22;
	v40 =	vmul.f32 v27, v50  }
0x128: {  	v18 =	vmul.f32 v18, v12;
	v22 =	vmul.f32 v44, v44;
	v23 =	vadd.f32 v31, v23  }
0x129: {  	v12 =	vmul.f32 v33, v46;
	v31 =	vshra.s32 v26, $0x1;
	v13 =	vmul.f32 $5.000000000e-01, v13;
	v43 =	vld.idx.msk [tilespmem:v48+s21+$0x0], $0xffff  }
0x12a: {  	v33 =	vmul.f32 $2.000000030e-01, v44;
	v27 =	vmul.f32 $5.000000000e-01, v45;
	v44 =	vadd.f32 $1.000000000e+00, v22;
	[tilespmem:v5+s22+$0x0] =	vst.idx.add.f32.msk $0xffff, v18;
	v5 =	vmovc v51  }
0x12b: {  	v45 =	vmul.f32 $2.000000030e-01, v34;
	v23 =	vmul.f32 v23, v35;
	v18 =	vsub.s32 $0x5F3759DF, v31  }
0x12c: {  	v35 =	vmul.f32 v28, v28;
	v13 =	vmul.f32 v38, v13;
	v31 =	vshra.s32 v44, $0x1;
	v22 =	vpop (erf)  }
0x12d: {  	v34 =	vmul.f32 v25, v17;
	v47 =	vsub.s32 $0x5F3759DF, v31;
	v31 =	vmul.f32 $5.000000000e-01, v44;
	[tilespmem:v9+s22+$0x0] =	vst.idx.add.f32.msk $0xffff, v23;
	v9 =	vmovc v37  }
0x12e: {  	v38 =	vadd.f32 $1.000000000e+00, v35;
	v23 =	vmin.f32 v45, $1.000000000e+00;
	v45 =	vmul.f32 v39, v40;
	v46 =	vpop (erf)  }
0x12f: {  	v44 =	vmin.f32 v33, $1.000000000e+00;
	v33 =	vmul.f32 $6.000000000e+00, v36;
	v48 =	vmul.f32 v47, v31;
	v50 =	vld.idx.msk [tilespmem:v37+s6+$0x0], $0xffff  }
0x130: {  	v17 =	vmul.f32 $5.000000000e-01, v26;
	v40 =	vmul.f32 v41, v36;
	v37 =	vshra.s32 v38, $0x1  }
0x131: {  	v51 =	vmul.f32 v29, v27;
	v41 =	vmul.f32 $6.000000000e+00, v44;
	v35 =	vld.idx.msk [tilespmem:v43+s6+$0x0], $0xffff;
	v43 =	vadd.f32 $-1.500000000e+01, v33  }
0x132: {  	v26 =	vmul.f32 v19, v32;
	v19 =	vsub.f32 $1.500000000e+00, v49;
	v52 =	vmul.f32 v44, v44  }
0x133: {  	v32 =	vmul.f32 $6.000000000e+00, v23;
	v39 =	vsub.s32 $0x5F3759DF, v37;
	v33 =	vmul.f32 v18, v17  }
0x134: {  	v41 =	vadd.f32 $-1.500000000e+01, v41;
	v37 =	vmul.f32 v52, v44;
	v36 =	vmul.f32 v43, v36  }
0x135: {  	v49 =	vmul.f32 v29, v51;
	v38 =	vmul.f32 $5.000000000e-01, v38;
	v32 =	vadd.f32 $-1.500000000e+01, v32  }
.Ltmp2:
0x136: {  	v48 =	vmul.f32 v47, v48;
	v41 =	vmul.f32 v41, v44;
	v44 =	vadd.f32 $1.000000000e+01, v36;
	(pc) =	sbr.rel @p0 .LBB2_7-.Ltmp2, $4  }
0x137: {  	v42 =	vadd.f32 v45, v42;
	v51 =	vmul.f32 v32, v23;
	v36 =	vmul.f32 v19, v20;
	v43 =	vld.idx.msk [tilespmem:v30+s21+$0x0], $0xffff  }
0x138: {  	v48 =	vsub.f32 $1.500000000e+00, v48;
	v20 =	vmul.f32 v39, v38;
	v30 =	vmul.f32 $5.000000000e-01, v50  }
0x139: {  	v32 =	vmul.f32 v23, v23;
	v19 =	vadd.f32 $1.000000000e+01, v51;
	v45 =	vsub.f32 v15, v36;
	v15 =	vmovc v46  }
0x13a: {  	v46 =	vmul.f32 v39, v20;
	v20 =	vmul.f32 v47, v48;
	v47 =	vsub.f32 $1.500000000e+00, v49  }
0x13b: {  	v48 =	vadd.s32 s2, v0;
	_ =	sdelay $0x2  }
0x13c: {  	v49 =	vmul.f32 $2.000000030e-01, v28  }
0x13d: {  	v30 =	vmul.f32 v35, v30;
	v40 =	vmul.f32 v44, v40  }
0x13e: {  	(erf) = vrcp.f32 v28;
	v34 =	vmul.f32 v34, v25;
	v55 =	vld.idx.msk [tilespmem:v48+s19+$0x0], $0xffff  }
0x13f: {  	v14 =	vmul.f32 v45, v14;
	v16 =	vmul.f32 v42, v16  }
0x140: {  	v41 =	vadd.f32 $1.000000000e+01, v41;
	v33 =	vmul.f32 v18, v33;
	v23 =	vmul.f32 v32, v23  }
0x141: {  	v54 =	vsub.f32 $1.500000000e+00, v46;
	v29 =	vmul.f32 v29, v47;
	v31 =	vmul.f32 v20, v31  }
0x142: {  	v56 =	vmin.f32 v49, $1.000000000e+00;
	v37 =	vmul.f32 v41, v37;
	v19 =	vmul.f32 v19, v23  }
0x143: {  	v43 =	vld.idx.msk [tilespmem:v43+s6+$0x0], $0xffff;
	v34 =	vsub.f32 $1.500000000e+00, v34;
	v39 =	vmul.f32 v39, v54;
	v59 =	vmul.f32 v55, v55  }
0x144: {  	v14 =	vadd.f32 v14, v36;
	v57 =	vmul.f32 $6.000000000e+00, v56;
	v58 =	vmul.f32 v56, v56  }
0x145: {  	v35 =	vld.idx.msk [tilespmem:v10+s20+$0x0], $0xffff;
	v27 =	vmul.f32 v29, v27;
	v38 =	vmul.f32 v39, v38;
	v41 =	vadd.f32 $1.000000000e+00, v59  }
0x146: {  	v33 =	vsub.f32 $1.500000000e+00, v33;
	v31 =	vmul.f32 v31, v20;
	v60 =	vmul.f32 v34, v25  }
0x147: {  	v38 =	vmul.f32 v38, v39;
	v46 =	vshra.s32 v41, $0x1;
	v41 =	vmul.f32 $5.000000000e-01, v41  }
0x148: {  	v8 =	vmul.f32 v14, v8;
	v24 =	vmul.f32 v43, v24;
	v43 =	vsub.s32 $0x5F3759DF, v46  }
0x149: {  	v45 =	vld.idx.msk [tilespmem:v10+s21+$0x0], $0xffff;
	v54 =	vmul.f32 v18, v33;
	v38 =	vsub.f32 $1.500000000e+00, v38;
	v47 =	vmul.f32 v43, v41  }
0x14a: {  	v44 =	vadd.f32 $-1.500000000e+01, v57;
	v61 =	vmul.f32 v58, v56;
	v27 =	vmul.f32 v27, v29  }
0x14b: {  	v36 =	vmul.f32 v38, v39;
	v38 =	vmul.f32 v43, v47  }
0x14c: {  	v11 =	vsub.f32 v11, v60;
	v17 =	vmul.f32 v54, v17;
	v62 =	vmul.f32 v44, v56  }
0x14d: {  	v27 =	vsub.f32 $1.500000000e+00, v27;
	v63 =	vld.idx.msk [tilespmem:v35+s6+$0x0], $0xffff;
	v28 =	vmul.f32 $2.000000030e-01, v55;
	v52 =	vsub.f32 $1.500000000e+00, v38  }
0x14e: {  	v53 =	vld.idx.msk [tilespmem:v48+s20+$0x0], $0xffff;
	v11 =	vmul.f32 v11, v26;
	v17 =	vmul.f32 v17, v54;
	v56 =	vadd.f32 $1.000000000e+01, v62  }
0x14f: {  	(erf) = vrcp.f32 v55;
	v51 =	vmin.f32 v28, $1.000000000e+00;
	v28 =	vmul.f32 v43, v52  }
0x150: {  	v58 =	vld.idx.msk [tilespmem:v48+s21+$0x0], $0xffff;
	v50 =	vmul.f32 v27, v29;
	v11 =	vadd.f32 v11, v60;
	v60 =	vmul.f32 v56, v61  }
0x151: {  	v31 =	vsub.f32 $1.500000000e+00, v31;
	v10 =	vld.idx.msk [tilespmem:v45+s6+$0x0], $0xffff;
	v59 =	vmul.f32 $6.000000000e+00, v51;
	v41 =	vmul.f32 v28, v41  }
0x152: {  	v21 =	vsub.f32 v21, v50;
	v11 =	vmul.f32 v11, v12;
	v49 =	vmul.f32 $5.000000000e-01, v63  }
0x153: {  	v55 =	vmul.f32 v51, v51;
	v61 =	vadd.f32 $-1.500000000e+01, v59;
	v62 =	vmul.f32 v41, v28  }
0x154: {  	v57 =	vpop (erf);
	v21 =	vmul.f32 v21, v40;
	v63 =	vsub.f32 $1.500000000e+00, v17;
	v40 =	vmul.f32 v31, v20  }
0x155: {  	[tilespmem:v4+s22+$0x0] =	vst.idx.add.f32.msk $0xffff, v16;
	v33 =	vsub.f32 v57, v36;
	v39 =	vmul.f32 v61, v51;
	v41 =	vsub.f32 $1.500000000e+00, v62  }
0x156: {  	v42 =	vld.idx.msk [tilespmem:v53+s6+$0x0], $0xffff;
	v10 =	vmul.f32 v10, v49;
	v12 =	vmul.f32 v63, v54;
	v44 =	vsub.f32 v15, v40  }
0x157: {  	[tilespmem:v3+s22+$0x0] =	vst.idx.add.f32.msk $0xffff, v8;
	v3 =	vadd.f32 $1.000000000e+01, v39;
	v43 =	vmul.f32 v55, v51;
	v45 =	vmul.f32 v41, v28  }
0x158: {  	v48 =	vld.idx.msk [tilespmem:v58+s6+$0x0], $0xffff;
	v14 =	vadd.f32 v21, v50;
	v22 =	vsub.f32 v22, v12;
	v4 =	vmul.f32 v44, v37;
	v46 =	vpop (erf)  }
0x159: {  	v47 =	vmul.f32 v33, v60;
	v3 =	vmul.f32 v3, v43;
	v15 =	vsub.f32 v46, v45  }
0x15a: {  	v14 =	vmul.f32 v14, v30;
	v19 =	vmul.f32 v22, v19;
	v4 =	vadd.f32 v4, v40  }
0x15b: {  	[tilespmem:v5+s22+$0x0] =	vst.idx.add.f32.msk $0xffff, v11;
	v49 =	vmul.f32 $5.000000000e-01, v42;
	v17 =	vadd.f32 v47, v36;
	v3 =	vmul.f32 v15, v3  }
0x15c: {  	[tilespmem:v9+s22+$0x0] =	vst.idx.add.f32.msk $0xffff, v14;
	v4 =	vmul.f32 v4, v13;
	v51 =	vadd.f32 v19, v12  }
0x15d: {  	v5 =	vmul.f32 v48, v49;
	v50 =	vmul.f32 v17, v24;
	v3 =	vadd.f32 v3, v45  }
0x15e: {  	[tilespmem:v7+s22+$0x0] =	vst.idx.add.f32.msk $0xffff, v4;
	v52 =	vmul.f32 v51, v10  }
0x15f: {  	[tilespmem:v6+s22+$0x0] =	vst.idx.add.f32.msk $0xffff, v50;
	v3 =	vmul.f32 v3, v5  }
0x160: {  	[tilespmem:v35+s22+$0x0] =	vst.idx.add.f32.msk $0xffff, v52  }
0x161: {  	[tilespmem:v53+s22+$0x0] =	vst.idx.add.f32.msk $0xffff, v3  }
0x162: {  	v3 =	vld.idx.msk [tilespmem:v2+s19+$0x0], $0xffff;
	_ =	sdelay $0x4  }
0x163: {  	v53 =	vmul.f32 v3, v3;
	_ =	sdelay $0x1  }
0x164: {  	v4 =	vadd.f32 $1.000000000e+00, v53;
	_ =	sdelay $0x1  }
0x165: {  	v54 =	vshra.s32 v4, $0x1;
	v4 =	vmul.f32 $5.000000000e-01, v4  }
0x166: {  	v5 =	vsub.s32 $0x5F3759DF, v54  }
0x167: {  	v55 =	vmul.f32 v5, v4;
	_ =	sdelay $0x1  }
0x168: {  	v6 =	vmul.f32 v5, v55;
	_ =	sdelay $0x1  }
0x169: {  	v6 =	vsub.f32 $1.500000000e+00, v6  }
0x16a: {  	v7 =	vld.idx.msk [tilespmem:v2+s20+$0x0], $0xffff;
	v56 =	vmul.f32 $2.000000030e-01, v3  }
0x16b: {  	(erf) = vrcp.f32 v3;
	v3 =	vmul.f32 v5, v6  }
0x16c: {  	v57 =	vld.idx.msk [tilespmem:v2+s21+$0x0], $0xffff;
	v58 =	vmin.f32 v56, $1.000000000e+00  }
0x16d: {  	v8 =	vmul.f32 $6.000000000e+00, v58;
	v4 =	vmul.f32 v3, v4;
	_ =	sdelay $0x1  }
0x16e: {  	v8 =	vadd.f32 $-1.500000000e+01, v8;
	v4 =	vmul.f32 v4, v3;
	_ =	sdelay $0x1  }
0x16f: {  	v59 =	vmul.f32 v58, v58;
	v8 =	vmul.f32 v8, v58;
	v4 =	vsub.f32 $1.500000000e+00, v4  }
0x170: {  	v60 =	vld.idx.msk [tilespmem:v7+s6+$0x0], $0xffff  }
0x171: {  	v8 =	vadd.f32 $1.000000000e+01, v8;
	v6 =	vmul.f32 v59, v58;
	v3 =	vmul.f32 v4, v3  }
0x172: {  	v61 =	vld.idx.msk [tilespmem:v57+s6+$0x0], $0xffff;
	v62 =	vpop (erf)  }
0x173: {  	v6 =	vmul.f32 v8, v6;
	v5 =	vsub.f32 v62, v3;
	_ =	sdelay $0x1  }
0x174: {  	s30 =	sadd.s32 $0x1, s30;
	v63 =	vmul.f32 $5.000000000e-01, v60;
	v5 =	vmul.f32 v5, v6  }
0x175: {  	p0 =	sne.s32 s30, $0xC  }
.Ltmp3:
0x176: {  	v4 =	vmul.f32 v61, v63;
	v3 =	vadd.f32 v5, v3;
	(pc) =	sbr.rel @p0 .LBB2_4-.Ltmp3, $3  }
0x177: {  	_ = 	snop  }
0x178: {  	v3 =	vmul.f32 v3, v4;
	_ =	sdelay $0x1  }
0x179: {  	[tilespmem:v7+s22+$0x0] =	vst.idx.add.f32.msk $0xffff, v3  }
0x17a: {  	_ =	swait.ge [sflag:s18], $0x7D0  }
0x17b: {  	[sflag:s18] =	ssyncset.done $0x0  }
0x17c: {  	[sflag:s18] =	ssyncadd.s32 $0xFFFFF830  }
0x17d: {  	s1 =	simm.s32 $0x1;
	_ =	swait.ge [sflag:s18], $0x7D0  }
0x17e: {  	s2 =	simm.s32 $0x3;
	v5 =	vadd.s32 s1, v0;
	[sflag:s18] =	ssyncset.done $0x0  }
0x17f: {  	v6 =	vadd.s32 s2, v0;
	[sflag:s18] =	ssyncadd.s32 $0xFFFFF830  }
0x180: {  	s4 =	simm.s32 $0x2;
	_ =	swait.ge [sflag:s18], $0x7D0  }
0x181: {  	v9 =	vadd.s32 s4, v0;
	[sflag:s18] =	ssyncset.done $0x0  }
0x182: {  	[sflag:s18] =	ssyncadd.s32 $0xFFFFF830  }
0x183: {  	v4 =	vld.idx.msk [tilespmem:v5+s15+$0x0], $0xffff  }
0x184: {  	v3 =	vld.idx.msk [tilespmem:v6+s15+$0x0], $0xffff  }
0x185: {  	v7 =	vld.idx.msk [tilespmem:v6+s16+$0x0], $0xffff  }
0x186: {  	v8 =	vld.idx.msk [tilespmem:v9+s14+$0x0], $0xffff  }
0x187: {  	v6 =	vld.idx.msk [tilespmem:v6+s14+$0x0], $0xffff  }
0x188: {  	v12 =	vld.idx.msk [tilespmem:v5+s14+$0x0], $0xffff;
	_ =	sdelay $0x2  }
0x189: {  	v13 =	vmul.f32 v8, v8  }
0x18a: {  	s24 =	simm.s32 $0x0;
	(erf) = vrcp.f32 v8;
	v17 =	vmul.f32 $2.000000030e-01, v8;
	v10 =	vld.idx.msk [tilespmem:v4+s6+$0x0], $0xffff  }
0x18b: {  	v26 =	vadd.s32 s24, v0;
	v14 =	vmul.f32 v6, v6;
	v16 =	vmul.f32 v12, v12;
	v11 =	vld.idx.msk [tilespmem:v3+s6+$0x0], $0xffff  }
0x18c: {  	(erf) = vrcp.f32 v6;
	v6 =	vmul.f32 $2.000000030e-01, v6;
	v17 =	vmin.f32 v17, $1.000000000e+00  }
0x18d: {  	v13 =	vadd.f32 $1.000000000e+00, v13;
	v14 =	vadd.f32 $1.000000000e+00, v14;
	v7 =	vld.idx.msk [tilespmem:v7+s6+$0x0], $0xffff;
	v22 =	vmul.f32 $6.000000000e+00, v17  }
0x18e: {  	v16 =	vadd.f32 $1.000000000e+00, v16;
	(erf) = vrcp.f32 v12;
	v6 =	vmin.f32 v6, $1.000000000e+00  }
0x18f: {  	v19 =	vmul.f32 $5.000000000e-01, v13;
	v21 =	vmul.f32 v6, v6;
	v22 =	vadd.f32 $-1.500000000e+01, v22  }
0x190: {  	v15 =	vmul.f32 $5.000000000e-01, v10;
	v10 =	vshra.s32 v13, $0x1;
	v11 =	vmul.f32 $5.000000000e-01, v11  }
0x191: {  	v18 =	vsub.s32 $0x5F3759DF, v10;
	v10 =	vshra.s32 v14, $0x1;
	v14 =	vmul.f32 $5.000000000e-01, v14  }
0x192: {  	v8 =	vmul.f32 v7, v11;
	v11 =	vshra.s32 v16, $0x1;
	v16 =	vmul.f32 $5.000000000e-01, v16  }
0x193: {  	s30 =	simm.s32 $0x7;
	v13 =	vmul.f32 $6.000000000e+00, v6;
	v7 =	vsub.s32 $0x5F3759DF, v10;
	v10 =	vld.idx.msk [tilespmem:v5+s16+$0x0], $0xffff;
	v11 =	vsub.s32 $0x5F3759DF, v11  }
0x194: {  	v27 =	vadd.s32 s30, v0;
	v5 =	vmul.f32 v7, v14;
	v20 =	vmul.f32 v11, v16  }
0x195: {  	v21 =	vmul.f32 v21, v6;
	v22 =	vmul.f32 v22, v17;
	v13 =	vadd.f32 $-1.500000000e+01, v13  }
0x196: {  	v25 =	vmul.f32 v7, v5;
	v24 =	vmul.f32 v11, v20  }
0x197: {  	v29 =	vld.idx.msk [tilespmem:v26+s14+$0x0], $0xffff;
	v23 =	vmul.f32 v18, v19;
	v13 =	vmul.f32 v13, v6  }
0x198: {  	s25 =	simm.s32 $0x5;
	v5 =	vld.idx.msk [tilespmem:v9+s15+$0x0], $0xffff;
	v6 =	vsub.f32 $1.500000000e+00, v24;
	v24 =	vsub.f32 $1.500000000e+00, v25;
	v25 =	vmul.f32 $2.000000030e-01, v12  }
0x199: {  	v33 =	vld.idx.msk [tilespmem:v27+s16+$0x0], $0xffff;
	v23 =	vmul.f32 v18, v23;
	v20 =	vadd.s32 s25, v0;
	v13 =	vadd.f32 $1.000000000e+01, v13  }
0x19a: {  	v9 =	vld.idx.msk [tilespmem:v9+s16+$0x0], $0xffff;
	v12 =	vmul.f32 v11, v6;
	v30 =	vmul.f32 v7, v24;
	v11 =	vmin.f32 v25, $1.000000000e+00  }
0x19b: {  	s31 =	simm.s32 $0x6;
	v23 =	vsub.f32 $1.500000000e+00, v23;
	v28 =	vld.idx.msk [tilespmem:v10+s6+$0x0], $0xffff;
	v25 =	vmul.f32 v17, v17;
	v24 =	vmul.f32 $6.000000000e+00, v11  }
0x19c: {  	v10 =	vadd.s32 s31, v0;
	v7 =	vld.idx.msk [tilespmem:v27+s15+$0x0], $0xffff;
	v31 =	vmul.f32 v11, v11;
	v16 =	vmul.f32 v12, v16  }
0x19d: {  	v27 =	vld.idx.msk [tilespmem:v27+s14+$0x0], $0xffff;
	v32 =	vmul.f32 v30, v14;
	v14 =	vmul.f32 v13, v21  }
0x19e: {  	v6 =	vld.idx.msk [tilespmem:v20+s15+$0x0], $0xffff;
	v39 =	vmul.f32 v25, v17;
	v25 =	vmul.f32 v18, v23;
	v24 =	vadd.f32 $-1.500000000e+01, v24  }
0x19f: {  	v13 =	vmul.f32 v31, v11;
	v16 =	vmul.f32 v16, v12  }
0x1a0: {  	v21 =	vld.idx.msk [tilespmem:v5+s6+$0x0], $0xffff;
	v32 =	vmul.f32 v32, v30;
	v24 =	vmul.f32 v24, v11  }
0x1a1: {  	v31 =	vsub.f32 $1.500000000e+00, v16;
	v16 =	vmul.f32 v28, v15;
	v15 =	vld.idx.msk [tilespmem:v10+s14+$0x0], $0xffff;
	v28 =	vmul.f32 $2.000000030e-01, v29  }
0x1a2: {  	v11 =	vpop (erf);
	(erf) = vrcp.f32 v29;
	v44 =	vmul.f32 $2.000000030e-01, v27;
	v34 =	vadd.f32 $1.000000000e+01, v24  }
0x1a3: {  	v9 =	vld.idx.msk [tilespmem:v9+s6+$0x0], $0xffff;
	v43 =	vpop (erf);
	v35 =	vmul.f32 v31, v12;
	v12 =	vmul.f32 v29, v29;
	v38 =	vmin.f32 v28, $1.000000000e+00  }
0x1a4: {  	v22 =	vadd.f32 $1.000000000e+01, v22;
	v24 =	vpop (erf);
	v41 =	vmul.f32 v38, v38;
	v42 =	vmul.f32 v34, v13  }
0x1a5: {  	v28 =	vld.idx.msk [tilespmem:v20+s14+$0x0], $0xffff;
	v34 =	vmul.f32 v25, v19;
	v56 =	vmul.f32 $6.000000000e+00, v38;
	v36 =	vsub.f32 v24, v35  }
0x1a6: {  	v31 =	vld.idx.msk [tilespmem:v6+s6+$0x0], $0xffff;
	v37 =	vadd.f32 $1.000000000e+00, v12;
	v12 =	vmul.f32 $5.000000000e-01, v21;
	(erf) = vrcp.f32 v15  }
0x1a7: {  	v21 =	vld.idx.msk [tilespmem:v7+s6+$0x0], $0xffff;
	v24 =	vmul.f32 v15, v15;
	v15 =	vmul.f32 $2.000000030e-01, v15;
	v59 =	vadd.f32 $-1.500000000e+01, v56  }
0x1a8: {  	v45 =	vld.idx.msk [tilespmem:v26+s16+$0x0], $0xffff;
	v17 =	vshra.s32 v37, $0x1;
	(erf) = vrcp.f32 v27;
	v12 =	vmul.f32 v9, v12  }
0x1a9: {  	v9 =	vld.idx.msk [tilespmem:v26+s15+$0x0], $0xffff;
	v26 =	vmul.f32 v22, v39;
	v22 =	vsub.f32 $1.500000000e+00, v32;
	v40 =	vadd.f32 $1.000000000e+00, v24  }
0x1aa: {  	v29 =	vsub.s32 $0x5F3759DF, v17;
	v17 =	vmul.f32 v27, v27;
	v23 =	vmul.f32 v28, v28  }
0x1ab: {  	v33 =	vld.idx.msk [tilespmem:v33+s6+$0x0], $0xffff;
	v27 =	vmul.f32 $5.000000000e-01, v37;
	v24 =	vmul.f32 $5.000000000e-01, v31;
	v13 =	vshra.s32 v40, $0x1  }
0x1ac: {  	v21 =	vmul.f32 $5.000000000e-01, v21;
	v17 =	vadd.f32 $1.000000000e+00, v17;
	v19 =	vadd.f32 $1.000000000e+00, v23  }
0x1ad: {  	v23 =	vmin.f32 v15, $1.000000000e+00;
	v15 =	vmul.f32 v36, v42;
	v60 =	vmul.f32 v29, v27  }
0x1ae: {  	v42 =	vmul.f32 v59, v38;
	v36 =	vmul.f32 v22, v30;
	v18 =	vsub.s32 $0x5F3759DF, v13  }
0x1af: {  	v48 =	vmul.f32 $6.000000000e+00, v23;
	v32 =	vmul.f32 v23, v23;
	v31 =	vshra.s32 v17, $0x1  }
0x1b0: {  	v13 =	vmul.f32 v33, v21;
	v21 =	vmin.f32 v44, $1.000000000e+00;
	v57 =	vshra.s32 v19, $0x1  }
0x1b1: {  	v62 =	vmul.f32 v29, v60;
	v47 =	vsub.s32 $0x5F3759DF, v31;
	v31 =	vmul.f32 $5.000000000e-01, v17  }
0x1b2: {  	v44 =	vadd.f32 $1.000000000e+01, v42;
	v17 =	vmul.f32 $5.000000000e-01, v40;
	v40 =	vmul.f32 v41, v38  }
0x1b3: {  	v42 =	vadd.f32 v15, v35;
	v58 =	vmul.f32 $6.000000000e+00, v21;
	v55 =	vmul.f32 v47, v31;
	v61 =	vld.idx.msk [tilespmem:v9+s6+$0x0], $0xffff  }
0x1b4: {  	v46 =	vmul.f32 v21, v21;
	v38 =	vmul.f32 $5.000000000e-01, v19;
	v19 =	vadd.f32 $-1.500000000e+01, v48  }
0x1b5: {  	v35 =	vld.idx.msk [tilespmem:v45+s6+$0x0], $0xffff;
	v45 =	vsub.f32 v43, v36;
	v41 =	vadd.f32 $-1.500000000e+01, v58;
	v63 =	vmul.f32 v47, v55  }
0x1b6: {  	v43 =	vld.idx.msk [tilespmem:v20+s16+$0x0], $0xffff;
	v39 =	vsub.s32 $0x5F3759DF, v57;
	v37 =	vmul.f32 v46, v21;
	v19 =	vmul.f32 v19, v23  }
0x1b7: {  	v49 =	vmul.f32 v39, v38;
	v41 =	vmul.f32 v41, v21;
	v21 =	vpop (erf);
	v50 =	vsub.f32 $1.500000000e+00, v63  }
0x1b8: {  	v33 =	vmul.f32 v18, v17;
	v19 =	vadd.f32 $1.000000000e+01, v19;
	v22 =	vpop (erf);
	v30 =	vmul.f32 $5.000000000e-01, v61  }
0x1b9: {  	s2 =	simm.s32 $0x4;
	s4 =	simm.s32 $0x8;
	v46 =	vmul.f32 v39, v49;
	v15 =	vpop (erf);
	v20 =	vmul.f32 v47, v50;
	v47 =	vsub.f32 $1.500000000e+00, v62  }
.LBB2_10:
0x1ba: {  	s1 =	sadd.s32 $0x1, s4;
	s24 =	sadd.s32 $0x2, s4;
	s25 =	sadd.s32 $0x3, s4;
	v48 =	vadd.s32 s2, v0;
	v49 =	vmul.f32 $2.000000030e-01, v28;
	v35 =	vmul.f32 v35, v30  }
0x1bb: {  	p0 =	slt.u32 s4, $0x78;
	v40 =	vmul.f32 v44, v40;
	s2 =	smov.u32 s4;
	s4 =	sadd.s32 $0x4, s4;
	v30 =	vadd.s32 s1, v0;
	v50 =	vadd.s32 s24, v0;
	v51 =	vld.idx.msk [tilespmem:v10+s15+$0x0], $0xffff  }
0x1bc: {  	v44 =	vadd.s32 s25, v0;
	v46 =	vsub.f32 $1.500000000e+00, v46;
	v29 =	vmul.f32 v29, v47  }
0x1bd: {  	v47 =	vmin.f32 v49, $1.000000000e+00;
	v49 =	vld.idx.msk [tilespmem:v10+s16+$0x0], $0xffff;
	(erf) = vrcp.f32 v28;
	v28 =	vmul.f32 v34, v25;
	v10 =	vmovc v50  }
0x1be: {  	v39 =	vmul.f32 v39, v46;
	v34 =	vld.idx.msk [tilespmem:v43+s6+$0x0], $0xffff;
	v43 =	vmul.f32 v45, v14  }
0x1bf: {  	v41 =	vadd.f32 $1.000000000e+01, v41;
	v42 =	vmul.f32 v42, v16;
	v14 =	vmul.f32 $6.000000000e+00, v47;
	v45 =	vld.idx.msk [tilespmem:v48+s14+$0x0], $0xffff  }
0x1c0: {  	v31 =	vmul.f32 v20, v31;
	v16 =	vmul.f32 v39, v38;
	v28 =	vsub.f32 $1.500000000e+00, v28;
	v46 =	vld.idx.msk [tilespmem:v30+s15+$0x0], $0xffff  }
0x1c1: {  	v50 =	vmul.f32 v47, v47;
	v52 =	vadd.f32 $-1.500000000e+01, v14;
	v14 =	vmul.f32 v41, v37;
	v38 =	vld.idx.msk [tilespmem:v44+s16+$0x0], $0xffff  }
0x1c2: {  	v16 =	vmul.f32 v16, v39;
	v41 =	vmul.f32 v28, v25;
	v37 =	vld.idx.msk [tilespmem:v44+s15+$0x0], $0xffff  }
0x1c3: {  	v50 =	vmul.f32 v50, v47;
	v36 =	vadd.f32 v43, v36;
	v25 =	vmul.f32 v52, v47;
	v28 =	vld.idx.msk [tilespmem:v51+s6+$0x0], $0xffff  }
0x1c4: {  	v43 =	vsub.f32 $1.500000000e+00, v16;
	v16 =	vmul.f32 v34, v24;
	v24 =	vmul.f32 v29, v27;
	[tilespmem:v4+s22+$0x0] =	vst.idx.add.f32.msk $0xffff, v42  }
0x1c5: {  	v27 =	vadd.f32 $1.000000000e+01, v25;
	v25 =	vmul.f32 v18, v33;
	v4 =	vmovc v6;
	v34 =	vld.idx.msk [tilespmem:v10+s14+$0x0], $0xffff;
	(erf) = vrcp.f32 v45;
	v6 =	vmovc v46  }
0x1c6: {  	v42 =	vmul.f32 v43, v39;
	v24 =	vmul.f32 v24, v29;
	v43 =	vsub.f32 v11, v41;
	v33 =	vld.idx.msk [tilespmem:v49+s6+$0x0], $0xffff;
	v39 =	vpop (erf)  }
0x1c7: {  	v47 =	vmul.f32 v45, v45;
	v11 =	vmovc v22;
	v25 =	vsub.f32 $1.500000000e+00, v25;
	v49 =	vmul.f32 v31, v20;
	v44 =	vld.idx.msk [tilespmem:v44+s14+$0x0], $0xffff  }
0x1c8: {  	v31 =	vmul.f32 $2.000000030e-01, v45;
	v39 =	vsub.f32 v39, v42;
	v24 =	vsub.f32 $1.500000000e+00, v24;
	v22 =	vld.idx.msk [tilespmem:v46+s6+$0x0], $0xffff  }
0x1c9: {  	v45 =	vadd.f32 $1.000000000e+00, v47;
	v46 =	vmul.f32 $5.000000000e-01, v28;
	v28 =	vmul.f32 v36, v8;
	v8 =	vmovc v13;
	v38 =	vld.idx.msk [tilespmem:v38+s6+$0x0], $0xffff  }
0x1ca: {  	v32 =	vmul.f32 v32, v23;
	v36 =	vmin.f32 v31, $1.000000000e+00;
	v23 =	vmul.f32 v24, v29;
	v13 =	vld.idx.msk [tilespmem:v37+s6+$0x0], $0xffff  }
0x1cb: {  	v26 =	vmul.f32 v43, v26;
	v24 =	vshra.s32 v45, $0x1;
	(erf) = vrcp.f32 v34;
	[tilespmem:v3+s22+$0x0] =	vst.idx.add.f32.msk $0xffff, v28;
	v3 =	vmovc v7  }
0x1cc: {  	v31 =	vmul.f32 v34, v34;
	v29 =	vsub.s32 $0x5F3759DF, v24;
	v24 =	vsub.f32 v21, v23;
	v7 =	vmovc v37;
	v28 =	vld.idx.msk [tilespmem:v30+s14+$0x0], $0xffff  }
0x1cd: {  	v25 =	vmul.f32 v18, v25;
	v18 =	vadd.f32 v26, v41;
	(erf) = vrcp.f32 v44;
	v37 =	vld.idx.msk [tilespmem:v48+s15+$0x0], $0xffff  }
0x1ce: {  	v41 =	vmul.f32 v36, v36;
	v26 =	vadd.f32 $1.000000000e+00, v31;
	v31 =	vmul.f32 v24, v40;
	v21 =	vpop (erf)  }
0x1cf: {  	v24 =	vmul.f32 $5.000000000e-01, v22;
	v40 =	vmul.f32 v27, v50  }
0x1d0: {  	v18 =	vmul.f32 v18, v12;
	v22 =	vmul.f32 v44, v44;
	v23 =	vadd.f32 v31, v23  }
0x1d1: {  	v12 =	vmul.f32 v33, v46;
	v31 =	vshra.s32 v26, $0x1;
	v13 =	vmul.f32 $5.000000000e-01, v13;
	v43 =	vld.idx.msk [tilespmem:v48+s16+$0x0], $0xffff  }
0x1d2: {  	v33 =	vmul.f32 $2.000000030e-01, v44;
	v27 =	vmul.f32 $5.000000000e-01, v45;
	v44 =	vadd.f32 $1.000000000e+00, v22;
	[tilespmem:v5+s22+$0x0] =	vst.idx.add.f32.msk $0xffff, v18;
	v5 =	vmovc v51  }
0x1d3: {  	v45 =	vmul.f32 $2.000000030e-01, v34;
	v23 =	vmul.f32 v23, v35;
	v18 =	vsub.s32 $0x5F3759DF, v31  }
0x1d4: {  	v35 =	vmul.f32 v28, v28;
	v13 =	vmul.f32 v38, v13;
	v31 =	vshra.s32 v44, $0x1;
	v22 =	vpop (erf)  }
0x1d5: {  	v34 =	vmul.f32 v25, v17;
	v47 =	vsub.s32 $0x5F3759DF, v31;
	v31 =	vmul.f32 $5.000000000e-01, v44;
	[tilespmem:v9+s22+$0x0] =	vst.idx.add.f32.msk $0xffff, v23;
	v9 =	vmovc v37  }
0x1d6: {  	v38 =	vadd.f32 $1.000000000e+00, v35;
	v23 =	vmin.f32 v45, $1.000000000e+00;
	v45 =	vmul.f32 v39, v40;
	v46 =	vpop (erf)  }
0x1d7: {  	v44 =	vmin.f32 v33, $1.000000000e+00;
	v33 =	vmul.f32 $6.000000000e+00, v36;
	v48 =	vmul.f32 v47, v31;
	v50 =	vld.idx.msk [tilespmem:v37+s6+$0x0], $0xffff  }
0x1d8: {  	v17 =	vmul.f32 $5.000000000e-01, v26;
	v40 =	vmul.f32 v41, v36;
	v37 =	vshra.s32 v38, $0x1  }
0x1d9: {  	v51 =	vmul.f32 v29, v27;
	v41 =	vmul.f32 $6.000000000e+00, v44;
	v35 =	vld.idx.msk [tilespmem:v43+s6+$0x0], $0xffff;
	v43 =	vadd.f32 $-1.500000000e+01, v33  }
0x1da: {  	v26 =	vmul.f32 v19, v32;
	v19 =	vsub.f32 $1.500000000e+00, v49;
	v52 =	vmul.f32 v44, v44  }
0x1db: {  	v32 =	vmul.f32 $6.000000000e+00, v23;
	v39 =	vsub.s32 $0x5F3759DF, v37;
	v33 =	vmul.f32 v18, v17  }
0x1dc: {  	v41 =	vadd.f32 $-1.500000000e+01, v41;
	v37 =	vmul.f32 v52, v44;
	v36 =	vmul.f32 v43, v36  }
0x1dd: {  	v49 =	vmul.f32 v29, v51;
	v38 =	vmul.f32 $5.000000000e-01, v38;
	v32 =	vadd.f32 $-1.500000000e+01, v32  }
.Ltmp4:
0x1de: {  	v48 =	vmul.f32 v47, v48;
	v41 =	vmul.f32 v41, v44;
	v44 =	vadd.f32 $1.000000000e+01, v36;
	(pc) =	sbr.rel @p0 .LBB2_10-.Ltmp4, $4  }
0x1df: {  	v42 =	vadd.f32 v45, v42;
	v51 =	vmul.f32 v32, v23;
	v36 =	vmul.f32 v19, v20;
	v43 =	vld.idx.msk [tilespmem:v30+s16+$0x0], $0xffff  }
0x1e0: {  	v48 =	vsub.f32 $1.500000000e+00, v48;
	v20 =	vmul.f32 v39, v38;
	v30 =	vmul.f32 $5.000000000e-01, v50  }
0x1e1: {  	v32 =	vmul.f32 v23, v23;
	v19 =	vadd.f32 $1.000000000e+01, v51;
	v45 =	vsub.f32 v15, v36;
	v15 =	vmovc v46  }
0x1e2: {  	v46 =	vmul.f32 v39, v20;
	v20 =	vmul.f32 v47, v48;
	v47 =	vsub.f32 $1.500000000e+00, v49  }
0x1e3: {  	v48 =	vadd.s32 s2, v0;
	_ =	sdelay $0x2  }
0x1e4: {  	v49 =	vmul.f32 $2.000000030e-01, v28  }
0x1e5: {  	v30 =	vmul.f32 v35, v30;
	v40 =	vmul.f32 v44, v40  }
0x1e6: {  	(erf) = vrcp.f32 v28;
	v34 =	vmul.f32 v34, v25;
	v55 =	vld.idx.msk [tilespmem:v48+s14+$0x0], $0xffff  }
0x1e7: {  	v14 =	vmul.f32 v45, v14;
	v16 =	vmul.f32 v42, v16  }
0x1e8: {  	v41 =	vadd.f32 $1.000000000e+01, v41;
	v33 =	vmul.f32 v18, v33;
	v23 =	vmul.f32 v32, v23  }
0x1e9: {  	v54 =	vsub.f32 $1.500000000e+00, v46;
	v29 =	vmul.f32 v29, v47;
	v31 =	vmul.f32 v20, v31  }
0x1ea: {  	v56 =	vmin.f32 v49, $1.000000000e+00;
	v37 =	vmul.f32 v41, v37;
	v19 =	vmul.f32 v19, v23  }
0x1eb: {  	v43 =	vld.idx.msk [tilespmem:v43+s6+$0x0], $0xffff;
	v34 =	vsub.f32 $1.500000000e+00, v34;
	v39 =	vmul.f32 v39, v54;
	v59 =	vmul.f32 v55, v55  }
0x1ec: {  	v14 =	vadd.f32 v14, v36;
	v57 =	vmul.f32 $6.000000000e+00, v56;
	v58 =	vmul.f32 v56, v56  }
0x1ed: {  	v35 =	vld.idx.msk [tilespmem:v10+s15+$0x0], $0xffff;
	v27 =	vmul.f32 v29, v27;
	v38 =	vmul.f32 v39, v38;
	v41 =	vadd.f32 $1.000000000e+00, v59  }
0x1ee: {  	v33 =	vsub.f32 $1.500000000e+00, v33;
	v31 =	vmul.f32 v31, v20;
	v60 =	vmul.f32 v34, v25  }
0x1ef: {  	v38 =	vmul.f32 v38, v39;
	v46 =	vshra.s32 v41, $0x1;
	v41 =	vmul.f32 $5.000000000e-01, v41  }
0x1f0: {  	v8 =	vmul.f32 v14, v8;
	v24 =	vmul.f32 v43, v24;
	v43 =	vsub.s32 $0x5F3759DF, v46  }
0x1f1: {  	v45 =	vld.idx.msk [tilespmem:v10+s16+$0x0], $0xffff;
	v54 =	vmul.f32 v18, v33;
	v38 =	vsub.f32 $1.500000000e+00, v38;
	v47 =	vmul.f32 v43, v41  }
0x1f2: {  	v44 =	vadd.f32 $-1.500000000e+01, v57;
	v61 =	vmul.f32 v58, v56;
	v27 =	vmul.f32 v27, v29  }
0x1f3: {  	v36 =	vmul.f32 v38, v39;
	v38 =	vmul.f32 v43, v47  }
0x1f4: {  	v11 =	vsub.f32 v11, v60;
	v17 =	vmul.f32 v54, v17;
	v62 =	vmul.f32 v44, v56  }
0x1f5: {  	v27 =	vsub.f32 $1.500000000e+00, v27;
	v63 =	vld.idx.msk [tilespmem:v35+s6+$0x0], $0xffff;
	v28 =	vmul.f32 $2.000000030e-01, v55;
	v52 =	vsub.f32 $1.500000000e+00, v38  }
0x1f6: {  	v53 =	vld.idx.msk [tilespmem:v48+s15+$0x0], $0xffff;
	v11 =	vmul.f32 v11, v26;
	v17 =	vmul.f32 v17, v54;
	v56 =	vadd.f32 $1.000000000e+01, v62  }
0x1f7: {  	(erf) = vrcp.f32 v55;
	v51 =	vmin.f32 v28, $1.000000000e+00;
	v28 =	vmul.f32 v43, v52  }
0x1f8: {  	v58 =	vld.idx.msk [tilespmem:v48+s16+$0x0], $0xffff;
	v50 =	vmul.f32 v27, v29;
	v11 =	vadd.f32 v11, v60;
	v60 =	vmul.f32 v56, v61  }
0x1f9: {  	v31 =	vsub.f32 $1.500000000e+00, v31;
	v10 =	vld.idx.msk [tilespmem:v45+s6+$0x0], $0xffff;
	v59 =	vmul.f32 $6.000000000e+00, v51;
	v41 =	vmul.f32 v28, v41  }
0x1fa: {  	v21 =	vsub.f32 v21, v50;
	v11 =	vmul.f32 v11, v12;
	v49 =	vmul.f32 $5.000000000e-01, v63  }
0x1fb: {  	v55 =	vmul.f32 v51, v51;
	v61 =	vadd.f32 $-1.500000000e+01, v59;
	v62 =	vmul.f32 v41, v28  }
0x1fc: {  	v57 =	vpop (erf);
	v21 =	vmul.f32 v21, v40;
	v63 =	vsub.f32 $1.500000000e+00, v17;
	v40 =	vmul.f32 v31, v20  }
0x1fd: {  	[tilespmem:v4+s22+$0x0] =	vst.idx.add.f32.msk $0xffff, v16;
	v33 =	vsub.f32 v57, v36;
	v39 =	vmul.f32 v61, v51;
	v41 =	vsub.f32 $1.500000000e+00, v62  }
0x1fe: {  	v42 =	vld.idx.msk [tilespmem:v53+s6+$0x0], $0xffff;
	v10 =	vmul.f32 v10, v49;
	v12 =	vmul.f32 v63, v54;
	v44 =	vsub.f32 v15, v40  }
0x1ff: {  	[tilespmem:v3+s22+$0x0] =	vst.idx.add.f32.msk $0xffff, v8;
	v3 =	vadd.f32 $1.000000000e+01, v39;
	v43 =	vmul.f32 v55, v51;
	v45 =	vmul.f32 v41, v28  }
0x200: {  	v48 =	vld.idx.msk [tilespmem:v58+s6+$0x0], $0xffff;
	v14 =	vadd.f32 v21, v50;
	v22 =	vsub.f32 v22, v12;
	v4 =	vmul.f32 v44, v37;
	v46 =	vpop (erf)  }
0x201: {  	v47 =	vmul.f32 v33, v60;
	v3 =	vmul.f32 v3, v43;
	v15 =	vsub.f32 v46, v45  }
0x202: {  	v14 =	vmul.f32 v14, v30;
	v19 =	vmul.f32 v22, v19;
	v4 =	vadd.f32 v4, v40  }
0x203: {  	[tilespmem:v5+s22+$0x0] =	vst.idx.add.f32.msk $0xffff, v11;
	v49 =	vmul.f32 $5.000000000e-01, v42;
	v17 =	vadd.f32 v47, v36;
	v3 =	vmul.f32 v15, v3  }
0x204: {  	[tilespmem:v9+s22+$0x0] =	vst.idx.add.f32.msk $0xffff, v14;
	v4 =	vmul.f32 v4, v13;
	v51 =	vadd.f32 v19, v12  }
0x205: {  	v5 =	vmul.f32 v48, v49;
	v50 =	vmul.f32 v17, v24;
	v3 =	vadd.f32 v3, v45  }
0x206: {  	[tilespmem:v7+s22+$0x0] =	vst.idx.add.f32.msk $0xffff, v4;
	v52 =	vmul.f32 v51, v10  }
0x207: {  	[tilespmem:v6+s22+$0x0] =	vst.idx.add.f32.msk $0xffff, v50;
	v3 =	vmul.f32 v3, v5  }
0x208: {  	[tilespmem:v35+s22+$0x0] =	vst.idx.add.f32.msk $0xffff, v52  }
0x209: {  	[tilespmem:v53+s22+$0x0] =	vst.idx.add.f32.msk $0xffff, v3  }
0x20a: {  	v3 =	vld.idx.msk [tilespmem:v2+s14+$0x0], $0xffff;
	_ =	sdelay $0x4  }
0x20b: {  	v53 =	vmul.f32 v3, v3;
	_ =	sdelay $0x1  }
0x20c: {  	v4 =	vadd.f32 $1.000000000e+00, v53;
	_ =	sdelay $0x1  }
0x20d: {  	v54 =	vshra.s32 v4, $0x1;
	v4 =	vmul.f32 $5.000000000e-01, v4  }
0x20e: {  	v5 =	vsub.s32 $0x5F3759DF, v54  }
0x20f: {  	v55 =	vmul.f32 v5, v4;
	_ =	sdelay $0x1  }
0x210: {  	v6 =	vmul.f32 v5, v55;
	_ =	sdelay $0x1  }
0x211: {  	v6 =	vsub.f32 $1.500000000e+00, v6  }
0x212: {  	v7 =	vld.idx.msk [tilespmem:v2+s15+$0x0], $0xffff;
	v56 =	vmul.f32 $2.000000030e-01, v3  }
0x213: {  	(erf) = vrcp.f32 v3;
	v3 =	vmul.f32 v5, v6  }
0x214: {  	v57 =	vld.idx.msk [tilespmem:v2+s16+$0x0], $0xffff;
	v58 =	vmin.f32 v56, $1.000000000e+00  }
0x215: {  	v8 =	vmul.f32 $6.000000000e+00, v58;
	v4 =	vmul.f32 v3, v4;
	_ =	sdelay $0x1  }
0x216: {  	v8 =	vadd.f32 $-1.500000000e+01, v8;
	v4 =	vmul.f32 v4, v3;
	_ =	sdelay $0x1  }
0x217: {  	v59 =	vmul.f32 v58, v58;
	v8 =	vmul.f32 v8, v58;
	v4 =	vsub.f32 $1.500000000e+00, v4  }
0x218: {  	v60 =	vld.idx.msk [tilespmem:v7+s6+$0x0], $0xffff  }
0x219: {  	v8 =	vadd.f32 $1.000000000e+01, v8;
	v6 =	vmul.f32 v59, v58;
	v3 =	vmul.f32 v4, v3  }
0x21a: {  	v61 =	vld.idx.msk [tilespmem:v57+s6+$0x0], $0xffff;
	v62 =	vpop (erf)  }
0x21b: {  	v6 =	vmul.f32 v8, v6;
	v5 =	vsub.f32 v62, v3;
	_ =	sdelay $0x1  }
0x21c: {  	v63 =	vmul.f32 $5.000000000e-01, v60;
	v5 =	vmul.f32 v5, v6;
	_ =	sdelay $0x1  }
0x21d: {  	v4 =	vmul.f32 v61, v63;
	v3 =	vadd.f32 v5, v3;
	_ =	sdelay $0x1  }
0x21e: {  	s28 =	sadd.s32 $0x1, s28;
	v3 =	vmul.f32 v3, v4  }
0x21f: {  	p0 =	sne.s32 s28, s13  }
.Ltmp5:
0x220: {  	s1 =	simm.s32 $0x80;
	s31 =	simm.s32 $0x400;
	[tilespmem:v7+s22+$0x0] =	vst.idx.add.f32.msk $0xffff, v3;
	(pc) =	sbr.rel @p0 .LBB2_1-.Ltmp5, $4  }
0x221: {  	[hbm4b:s12+s1] =	stream.strided.scatter [tilespmem:s22], [sflag:$0x4], $0xC380, s31, s1, $0x38;
	[tilespmem:$0x1B700] =	vst v63  }
0x222: {  	_ =	swait.ge [sflag:s26], $0xC380  }
0x223: {  	[sflag:s26] =	ssyncset.done $0x0  }
0x224: {  	[sflag:s26] =	ssyncadd.s32 $0xFFFF3C80  }
0x225: {  	_ =	sfence.sel $0x180000  }
0x226: {  	[bflag:$0x0] =	sbarrier.arrive $0xFFFF  }
0x227: {  	_ =	strace $0x90000047  }
0x228: {  	s0 =	stileid.u32;
	[bflag:$0x2] =	sbarrier.arrive $0xFFFF  }
0x229: {  	p0 =	sne.s32 s0, $0x0;
	s0 =	rddreg [dreg:$0x5]  }
0x22a: {  	s0 =	sadd.s32 @!p0 $0x100000, s0  }
0x22b: {  	[sflag:s0] =	ssyncadd.tile.s32 @!p0 $0x1;
	_ =	shalt  }
.Lfunc_end2:
_tile_overlayer_lowered:
.L_overlay_start_2:
0x22c: {  	(tag) =	ssettag $0x2  }
0x22d: {  	s0 =	rddreg [dreg:$0x0];
	s2 =	stileid.u32  }
0x22e: {  	s1 =	rddreg [dreg:$0x1];
	p0 =	sne.s32 s2, $0x0  }
0x22f: {  	s3 =	rddreg [dreg:$0x2];
	[bflag:$0x3] =	sbarrier.arrive $0xFFFF;
	s2 =	simm.s32 @!p0 $0x1C04  }
0x230: {  	[timem:s3], [sflag:s2] =	dma.local @!p0 [hbm:s0], s1  }
0x231: {  	s0 =	simm.s32 @!p0 $0x4  }
0x232: {  	_ =	swait.ge @!p0 [sflag:s0], s1  }
0x233: {  	s1 =	ssub.s32 @!p0 $0x0, s1;
	[sflag:s0] =	ssyncset.done @!p0 $0x0  }
0x234: {  	[sflag:s0] =	ssyncadd.s32 @!p0 s1  }
0x235: {  	[bflag:$0x3] =	sbarrier.arrive $0xFFFF  }
0x236: {  	_ =	shalt  }

</sc_bundles>
